<compile_context>
chip_gen: v7x
topology: tpu7x:2x2x1
jax: 0.10.2.dev20260603
libtpu: 0.0.44.dev20260713+nightly
codegen_flags: <defaults>
</compile_context>

<pallas_src>
import functools

import jax
import jax.numpy as jnp
from jax import lax
from jax.experimental import pallas as pl
from jax.experimental.pallas import tpu as pltpu
from jax.experimental.pallas import tpu_sc as plsc

N_NODES = 10000
N_EDGES = 320000
D = 128

NC = 2
NS = 16
NW = NC * NS
N_PAD = 10240
EPT = N_EDGES // NW
CHUNK = 125
NCHUNK = EPT // CHUNK
NBLK = 2
BCHUNK = NCHUNK // NBLK
ROWS_PT = N_PAD // NS
ROW_BLK = 1024
N_ROW_BLKS = N_PAD // ROW_BLK

_mesh = plsc.VectorSubcoreMesh(core_axis_name="c", subcore_axis_name="s")


@functools.partial(
    pl.kernel,
    out_type=jax.ShapeDtypeStruct((NC, N_PAD), jnp.float32),
    mesh=_mesh,
    scratch_types=[
        pltpu.VMEM((NBLK, BCHUNK, CHUNK), jnp.int32),
        pltpu.VMEM((CHUNK,), jnp.float32),
        pltpu.VMEM_SHARED((N_PAD,), jnp.float32),
        pltpu.SemaphoreType.DMA,
    ],
)
def _deg_kernel(ei_hbm, ones_hbm, zeros1_hbm, out_hbm, dstv, onesv, acc1, sem):
    cid = lax.axis_index("c")
    sid = lax.axis_index("s")
    wid = sid * NC + cid
    pltpu.sync_copy(zeros1_hbm.at[pl.ds(sid * ROWS_PT, ROWS_PT)],
                    acc1.at[pl.ds(sid * ROWS_PT, ROWS_PT)])
    pltpu.sync_copy(ei_hbm.at[0 + 1, wid, :, :, :], dstv)
    pltpu.sync_copy(ones_hbm, onesv)
    plsc.subcore_barrier()

    for b in range(NBLK):

        def issue(c, carry):
            pltpu.async_copy(onesv, acc1.at[dstv.at[b, c]], sem, add=True)
            return carry

        lax.fori_loop(0, BCHUNK, issue, 0)
    for b in range(NBLK):

        def drain(c, carry):
            pltpu.make_async_copy(onesv, acc1.at[dstv.at[b, c]], sem).wait()
            return carry

        lax.fori_loop(0, BCHUNK, drain, 0)
    plsc.subcore_barrier()
    pltpu.sync_copy(acc1.at[pl.ds(sid * ROWS_PT, ROWS_PT)],
                    out_hbm.at[cid, pl.ds(sid * ROWS_PT, ROWS_PT)])


@functools.partial(
    pl.kernel,
    out_type=jax.ShapeDtypeStruct((NC, N_PAD, D), jnp.float32),
    mesh=_mesh,
    scratch_types=[
        pltpu.VMEM((BCHUNK, CHUNK), jnp.int32),
        pltpu.VMEM((BCHUNK, CHUNK), jnp.int32),
        pltpu.VMEM((CHUNK, D), jnp.float32),
        pltpu.VMEM((CHUNK, D), jnp.float32),
        pltpu.VMEM_SHARED((N_PAD, D), jnp.float32),
        pltpu.SemaphoreType.DMA,
        pltpu.SemaphoreType.DMA,
    ],
)
def _edge_scatter_kernel(hp_hbm, ei_hbm, zeros2_hbm, out_hbm,
                         srcv, dstv, bufa, bufb, acc, sema, semb):
    cid = lax.axis_index("c")
    sid = lax.axis_index("s")
    wid = sid * NC + cid
    for b in range(NBLK):
        pltpu.sync_copy(ei_hbm.at[0, wid, b, :, :], srcv)
        pltpu.sync_copy(ei_hbm.at[1, wid, b, :, :], dstv)
        pltpu.async_copy(hp_hbm.at[srcv.at[0]], bufa, sema)
        pltpu.async_copy(hp_hbm.at[srcv.at[1]], bufb, semb)
        if b == 0:
            pltpu.sync_copy(zeros2_hbm.at[pl.ds(sid * ROWS_PT, ROWS_PT)],
                            acc.at[pl.ds(sid * ROWS_PT, ROWS_PT)])
            plsc.subcore_barrier()

        def body(g, carry):
            c0 = 2 * g
            c1 = c0 + 1
            pltpu.make_async_copy(hp_hbm.at[srcv.at[c0]], bufa, sema).wait()
            pltpu.sync_copy(bufa, acc.at[dstv.at[c0]], add=True)
            pltpu.async_copy(hp_hbm.at[srcv.at[jnp.minimum(c0 + 2, BCHUNK - 1)]],
                             bufa, sema)
            pltpu.make_async_copy(hp_hbm.at[srcv.at[c1]], bufb, semb).wait()
            pltpu.sync_copy(bufb, acc.at[dstv.at[c1]], add=True)
            pltpu.async_copy(hp_hbm.at[srcv.at[jnp.minimum(c1 + 2, BCHUNK - 1)]],
                             bufb, semb)
            return carry

        lax.fori_loop(0, BCHUNK // 2, body, 0)
        pltpu.make_async_copy(hp_hbm.at[srcv.at[0]], bufa, sema).wait()
        pltpu.make_async_copy(hp_hbm.at[srcv.at[0]], bufb, semb).wait()
    plsc.subcore_barrier()
    pltpu.sync_copy(acc.at[pl.ds(sid * ROWS_PT, ROWS_PT)],
                    out_hbm.at[cid, pl.ds(sid * ROWS_PT, ROWS_PT)])


def _tc1_body(deg_ref, x_ref, w_ref, dis_ref, hp_ref):
    deg = deg_ref[0, :] + deg_ref[1, :] + 1.0
    dis = lax.rsqrt(deg)
    dis_ref[:] = dis
    hp_ref[:, :] = jnp.dot(x_ref[:, :], w_ref[:, :],
                           preferred_element_type=jnp.float32) * dis[:, None]


def _tc2_body(p_ref, hp1_ref, dis_ref, b1_ref, w2_ref, hp2_ref):
    dis = dis_ref[:]
    agg = p_ref[0, :, :] + p_ref[1, :, :] + hp1_ref[:, :]
    z = jnp.maximum(agg * dis[:, None] + b1_ref[:][None, :], 0.0)
    hp2_ref[:, :] = jnp.dot(z, w2_ref[:, :],
                            preferred_element_type=jnp.float32) * dis[:, None]


def _tc3_body(p_ref, hp2_ref, dis_ref, b2_ref, out_ref):
    dis = dis_ref[:]
    agg = p_ref[0, :, :] + p_ref[1, :, :] + hp2_ref[:, :]
    out_ref[:, :] = agg * dis[:, None] + b2_ref[:][None, :]


_blk_rows2 = pl.BlockSpec((ROW_BLK, D), lambda i: (i, 0))
_blk_part = pl.BlockSpec((NC, ROW_BLK, D), lambda i: (0, i, 0))
_blk_dis = pl.BlockSpec((ROW_BLK,), lambda i: (i,))
_blk_w = pl.BlockSpec((D, D), lambda i: (0, 0))
_blk_b = pl.BlockSpec((D,), lambda i: (0,))

_tc1 = pl.pallas_call(
    _tc1_body,
    grid=(N_ROW_BLKS,),
    in_specs=[pl.BlockSpec((NC, ROW_BLK), lambda i: (0, i)), _blk_rows2, _blk_w],
    out_specs=[_blk_dis, _blk_rows2],
    out_shape=[jax.ShapeDtypeStruct((N_PAD,), jnp.float32),
               jax.ShapeDtypeStruct((N_PAD, D), jnp.float32)],
)

_tc2 = pl.pallas_call(
    _tc2_body,
    grid=(N_ROW_BLKS,),
    in_specs=[_blk_part, _blk_rows2, _blk_dis, _blk_b, _blk_w],
    out_specs=_blk_rows2,
    out_shape=jax.ShapeDtypeStruct((N_PAD, D), jnp.float32),
)

_tc3 = pl.pallas_call(
    _tc3_body,
    grid=(N_ROW_BLKS,),
    in_specs=[_blk_part, _blk_rows2, _blk_dis, _blk_b],
    out_specs=_blk_rows2,
    out_shape=jax.ShapeDtypeStruct((N_NODES, D), jnp.float32),
)


def kernel(x, edge_index, W1, b1, W2, b2):
    ei = edge_index.astype(jnp.int32).reshape(2, NW, NBLK, BCHUNK, CHUNK)

    x_pad = jnp.zeros((N_PAD, D), jnp.float32).at[:N_NODES, :].set(x)
    zeros1 = jnp.zeros((N_PAD,), jnp.float32)
    zeros2 = jnp.zeros((N_PAD, D), jnp.float32)
    ones = jnp.ones((CHUNK,), jnp.float32)

    deg_p = _deg_kernel(ei, ones, zeros1)
    dis, hp1 = _tc1(deg_p, x_pad, W1)
    p1 = _edge_scatter_kernel(hp1, ei, zeros2)
    hp2 = _tc2(p1, hp1, dis, b1, W2)
    p2 = _edge_scatter_kernel(hp2, ei, zeros2)
    return _tc3(p2, hp2, dis, b2)

# --- scband reference (transcript-rebuilt; emitter-appended) ---
"""Pipeline reference for scband-gcnencoder-6932077215862 (READ-ONLY COPY).

The authoritative reference and input builder live on the scoring server;
editing this copy changes nothing except your own understanding.
"""

import jax, jax.numpy as jnp
import numpy as np

N_NODES = 10000
N_EDGES = 320000
D_IN = 128
D_HID = 128
D_OUT = 128


def setup_inputs(seed: int = 0) -> dict:
    key = jax.random.key(seed)
    k1, k2, k3, k4, k5, k6 = jax.random.split(key, 6)
    x = jax.random.normal(k1, (N_NODES, D_IN), dtype=jnp.float32)
    edge_index = jax.random.randint(k2, (2, N_EDGES), 0, N_NODES, dtype=jnp.int64)
    # GCNConv weights (glorot-ish scale) and zero biases, matching torch_geometric GCNConv defaults
    W1 = jax.random.normal(k3, (D_IN, D_HID), dtype=jnp.float32) * (1.0 / np.sqrt(D_IN))
    b1 = jnp.zeros((D_HID,), dtype=jnp.float32)
    W2 = jax.random.normal(k4, (D_HID, D_OUT), dtype=jnp.float32) * (1.0 / np.sqrt(D_HID))
    b2 = jnp.zeros((D_OUT,), dtype=jnp.float32)
    return {"x": x, "edge_index": edge_index, "W1": W1, "b1": b1, "W2": W2, "b2": b2}


def _gcn_conv(x, src, dst, W, b, num_nodes):
    # torch_geometric GCNConv: add self-loops, symmetric normalization D^-1/2 (A+I) D^-1/2 X W + b
    h = x @ W
    deg = jnp.zeros((num_nodes,), dtype=x.dtype).at[dst].add(1.0)
    deg_inv_sqrt = jnp.where(deg > 0, jax.lax.rsqrt(jnp.maximum(deg, 1e-12)), 0.0)
    norm = deg_inv_sqrt[src] * deg_inv_sqrt[dst]
    msg = h[src] * norm[:, None]
    out = jnp.zeros((num_nodes, h.shape[1]), dtype=h.dtype).at[dst].add(msg)
    return out + b


def reference(x, edge_index, W1, b1, W2, b2):
    num_nodes = x.shape[0]
    loop = jnp.arange(num_nodes, dtype=edge_index.dtype)
    src = jnp.concatenate([edge_index[0], loop])
    dst = jnp.concatenate([edge_index[1], loop])
    h = _gcn_conv(x, src, dst, W1, b1, num_nodes)
    h = jax.nn.relu(h)
    # dropout=0.0 -> identity in eval/train
    out = _gcn_conv(h, src, dst, W2, b2, num_nodes)
    return out

if __name__ == "__main__":
    import jax
    _d = setup_inputs()
    print(jax.jit(kernel)(*tuple(_d.values())))

</pallas_src>

<mosaic_0001>
#map = affine_map<(d0, d1) -> (0, 0)>
#map1 = affine_map<(d0, d1) -> (0, 0, 0, 0, 0)>
#map2 = affine_map<(d0, d1) -> (0, 0, 0)>
module attributes {stable_mosaic.version = 14 : i64} {
  func.func @_edge_scatter_kernel(%arg0: i32, %arg1: i32, %arg2: memref<10240x128xf32, #tpu.memory_space<hbm>>, %arg3: memref<2x32x2x40x125xi32, #tpu.memory_space<hbm>>, %arg4: memref<10240x128xf32, #tpu.memory_space<hbm>>, %arg5: memref<2x10240x128xf32, #tpu.memory_space<hbm>>, %arg6: memref<40x125xi32, #tpu.memory_space<vmem>>, %arg7: memref<40x125xi32, #tpu.memory_space<vmem>>, %arg8: memref<125x128xf32, #tpu.memory_space<vmem>>, %arg9: memref<125x128xf32, #tpu.memory_space<vmem>>, %arg10: memref<10240x128xf32, #tpu.memory_space<vmem_shared>>, %arg11: memref<!tpu.dma_semaphore, #tpu.memory_space<semaphore_mem>>, %arg12: memref<!tpu.dma_semaphore, #tpu.memory_space<semaphore_mem>>) attributes {dimension_semantics = [#tpu.dimension_semantics<core_parallel>, #tpu.dimension_semantics<subcore_parallel>], iteration_bounds = array<i64: 2, 16>, scalar_prefetch = 0 : i64, scratch_operands = 7 : i64, tpu.core_type = #tpu.core_type<sc_vector_subcore>, window_params = [{transform_indices = #map}, {transform_indices = #map1}, {transform_indices = #map}, {transform_indices = #map2}]} {
    %mul3A = arith.constant 2 : i32
    %mul3A_0 = arith.muli %arg1, %mul3A : i32
    %add3A = arith.addi %mul3A_0, %arg0 : i32
    %run_scoped3A = arith.constant 0 : i32
    %run_scoped3A_1 = arith.constant 0 : i32
    "tpu.region"() ({
      %run_scoped3A_82 = tpu.sem_alloc : memref<!tpu.dma_semaphore, #tpu.memory_space<semaphore_mem>>
      %dma_start3A_83 = arith.constant 0 : i32
      %dma_start3A_84 = arith.constant 0 : i32
      %dma_start3A_85 = tpu.memref_slice %arg3[%run_scoped3A, %add3A, %run_scoped3A_1, %dma_start3A_83, %dma_start3A_84] : memref<2x32x2x40x125xi32, #tpu.memory_space<hbm>> -> memref<1x1x1x40x125xi32, #tpu.memory_space<hbm>>
      %dma_start3A_86 = tpu.memref_squeeze %dma_start3A_85 : memref<1x1x1x40x125xi32, #tpu.memory_space<hbm>> -> memref<40x125xi32, #tpu.memory_space<hbm>>
      %dma_start3A_87 = arith.constant 0 : i32
      %dma_start3A_88 = arith.constant 0 : i32
      %dma_start3A_89 = tpu.memref_slice %arg3[%run_scoped3A, %add3A, %run_scoped3A_1, %dma_start3A_87, %dma_start3A_88] : memref<2x32x2x40x125xi32, #tpu.memory_space<hbm>> -> memref<1x1x1x40x125xi32, #tpu.memory_space<hbm>>
      %dma_start3A_90 = tpu.memref_squeeze %dma_start3A_89 : memref<1x1x1x40x125xi32, #tpu.memory_space<hbm>> -> memref<40x125xi32, #tpu.memory_space<hbm>>
      tpu.enqueue_dma source(%dma_start3A_90 : memref<40x125xi32, #tpu.memory_space<hbm>>) target(%arg6 : memref<40x125xi32, #tpu.memory_space<vmem>>) target_semaphore(%run_scoped3A_82 : memref<!tpu.dma_semaphore, #tpu.memory_space<semaphore_mem>>)
      %dma_wait3A_91 = arith.constant 0 : i32
      %dma_wait3A_92 = arith.constant 0 : i32
      %dma_wait3A_93 = tpu.memref_slice %arg3[%run_scoped3A, %add3A, %run_scoped3A_1, %dma_wait3A_91, %dma_wait3A_92] : memref<2x32x2x40x125xi32, #tpu.memory_space<hbm>> -> memref<1x1x1x40x125xi32, #tpu.memory_space<hbm>>
      %dma_wait3A_94 = tpu.memref_squeeze %dma_wait3A_93 : memref<1x1x1x40x125xi32, #tpu.memory_space<hbm>> -> memref<40x125xi32, #tpu.memory_space<hbm>>
      %dma_wait3A_95 = arith.constant 0 : i32
      %dma_wait3A_96 = arith.constant 0 : i32
      %dma_wait3A_97 = tpu.memref_slice %arg3[%run_scoped3A, %add3A, %run_scoped3A_1, %dma_wait3A_95, %dma_wait3A_96] : memref<2x32x2x40x125xi32, #tpu.memory_space<hbm>> -> memref<1x1x1x40x125xi32, #tpu.memory_space<hbm>>
      %dma_wait3A_98 = tpu.memref_squeeze %dma_wait3A_97 : memref<1x1x1x40x125xi32, #tpu.memory_space<hbm>> -> memref<40x125xi32, #tpu.memory_space<hbm>>
      tpu.wait_dma2 semaphore(%run_scoped3A_82 : memref<!tpu.dma_semaphore, #tpu.memory_space<semaphore_mem>>) src(%dma_wait3A_98 : memref<40x125xi32, #tpu.memory_space<hbm>>) dst(%arg6 : memref<40x125xi32, #tpu.memory_space<vmem>>)
      tpu.yield
    }) : () -> ()
    %run_scoped3A_2 = arith.constant 1 : i32
    %run_scoped3A_3 = arith.constant 0 : i32
    "tpu.region"() ({
      %run_scoped3A_82 = tpu.sem_alloc : memref<!tpu.dma_semaphore, #tpu.memory_space<semaphore_mem>>
      %dma_start3A_83 = arith.constant 0 : i32
      %dma_start3A_84 = arith.constant 0 : i32
      %dma_start3A_85 = tpu.memref_slice %arg3[%run_scoped3A_2, %add3A, %run_scoped3A_3, %dma_start3A_83, %dma_start3A_84] : memref<2x32x2x40x125xi32, #tpu.memory_space<hbm>> -> memref<1x1x1x40x125xi32, #tpu.memory_space<hbm>>
      %dma_start3A_86 = tpu.memref_squeeze %dma_start3A_85 : memref<1x1x1x40x125xi32, #tpu.memory_space<hbm>> -> memref<40x125xi32, #tpu.memory_space<hbm>>
      %dma_start3A_87 = arith.constant 0 : i32
      %dma_start3A_88 = arith.constant 0 : i32
      %dma_start3A_89 = tpu.memref_slice %arg3[%run_scoped3A_2, %add3A, %run_scoped3A_3, %dma_start3A_87, %dma_start3A_88] : memref<2x32x2x40x125xi32, #tpu.memory_space<hbm>> -> memref<1x1x1x40x125xi32, #tpu.memory_space<hbm>>
      %dma_start3A_90 = tpu.memref_squeeze %dma_start3A_89 : memref<1x1x1x40x125xi32, #tpu.memory_space<hbm>> -> memref<40x125xi32, #tpu.memory_space<hbm>>
      tpu.enqueue_dma source(%dma_start3A_90 : memref<40x125xi32, #tpu.memory_space<hbm>>) target(%arg7 : memref<40x125xi32, #tpu.memory_space<vmem>>) target_semaphore(%run_scoped3A_82 : memref<!tpu.dma_semaphore, #tpu.memory_space<semaphore_mem>>)
      %dma_wait3A_91 = arith.constant 0 : i32
      %dma_wait3A_92 = arith.constant 0 : i32
      %dma_wait3A_93 = tpu.memref_slice %arg3[%run_scoped3A_2, %add3A, %run_scoped3A_3, %dma_wait3A_91, %dma_wait3A_92] : memref<2x32x2x40x125xi32, #tpu.memory_space<hbm>> -> memref<1x1x1x40x125xi32, #tpu.memory_space<hbm>>
      %dma_wait3A_94 = tpu.memref_squeeze %dma_wait3A_93 : memref<1x1x1x40x125xi32, #tpu.memory_space<hbm>> -> memref<40x125xi32, #tpu.memory_space<hbm>>
      %dma_wait3A_95 = arith.constant 0 : i32
      %dma_wait3A_96 = arith.constant 0 : i32
      %dma_wait3A_97 = tpu.memref_slice %arg3[%run_scoped3A_2, %add3A, %run_scoped3A_3, %dma_wait3A_95, %dma_wait3A_96] : memref<2x32x2x40x125xi32, #tpu.memory_space<hbm>> -> memref<1x1x1x40x125xi32, #tpu.memory_space<hbm>>
      %dma_wait3A_98 = tpu.memref_squeeze %dma_wait3A_97 : memref<1x1x1x40x125xi32, #tpu.memory_space<hbm>> -> memref<40x125xi32, #tpu.memory_space<hbm>>
      tpu.wait_dma2 semaphore(%run_scoped3A_82 : memref<!tpu.dma_semaphore, #tpu.memory_space<semaphore_mem>>) src(%dma_wait3A_98 : memref<40x125xi32, #tpu.memory_space<hbm>>) dst(%arg7 : memref<40x125xi32, #tpu.memory_space<vmem>>)
      tpu.yield
    }) : () -> ()
    %dma_start3A = arith.constant 0 : i32
    %dma_start3A_4 = arith.constant 0 : i32
    %dma_start3A_5 = tpu.memref_slice %arg6[%dma_start3A, %dma_start3A_4] : memref<40x125xi32, #tpu.memory_space<vmem>> -> memref<1x125xi32, #tpu.memory_space<vmem>>
    %dma_start3A_6 = tpu.memref_squeeze %dma_start3A_5 : memref<1x125xi32, #tpu.memory_space<vmem>> -> memref<125xi32, #tpu.memory_space<vmem>>
    %dma_start3A_7 = arith.constant 0 : i32
    %dma_start3A_8 = arith.constant 0 : i32
    %dma_start3A_9 = tpu.memref_slice %arg2[%dma_start3A_7, %dma_start3A_8] : memref<10240x128xf32, #tpu.memory_space<hbm>> -> memref<10240x128xf32, #tpu.memory_space<hbm>>
    tpu.enqueue_indirect_dma source(%dma_start3A_9 : memref<10240x128xf32, #tpu.memory_space<hbm>>) target(%arg8 : memref<125x128xf32, #tpu.memory_space<vmem>>) offsets(%dma_start3A_6 : memref<125xi32, #tpu.memory_space<vmem>>) semaphore(%arg11 : memref<!tpu.dma_semaphore, #tpu.memory_space<semaphore_mem>>)
    %dma_start3A_10 = arith.constant 1 : i32
    %dma_start3A_11 = arith.constant 0 : i32
    %dma_start3A_12 = tpu.memref_slice %arg6[%dma_start3A_10, %dma_start3A_11] : memref<40x125xi32, #tpu.memory_space<vmem>> -> memref<1x125xi32, #tpu.memory_space<vmem>>
    %dma_start3A_13 = tpu.memref_squeeze %dma_start3A_12 : memref<1x125xi32, #tpu.memory_space<vmem>> -> memref<125xi32, #tpu.memory_space<vmem>>
    %dma_start3A_14 = arith.constant 0 : i32
    %dma_start3A_15 = arith.constant 0 : i32
    %dma_start3A_16 = tpu.memref_slice %arg2[%dma_start3A_14, %dma_start3A_15] : memref<10240x128xf32, #tpu.memory_space<hbm>> -> memref<10240x128xf32, #tpu.memory_space<hbm>>
    tpu.enqueue_indirect_dma source(%dma_start3A_16 : memref<10240x128xf32, #tpu.memory_space<hbm>>) target(%arg9 : memref<125x128xf32, #tpu.memory_space<vmem>>) offsets(%dma_start3A_13 : memref<125xi32, #tpu.memory_space<vmem>>) semaphore(%arg12 : memref<!tpu.dma_semaphore, #tpu.memory_space<semaphore_mem>>)
    %mul3A_17 = arith.constant 640 : i32
    %mul3A_18 = arith.muli %arg1, %mul3A_17 : i32
    %mul3A_19 = arith.constant 640 : i32
    %mul3A_20 = arith.muli %arg1, %mul3A_19 : i32
    "tpu.region"() ({
      %run_scoped3A_82 = tpu.sem_alloc : memref<!tpu.dma_semaphore, #tpu.memory_space<semaphore_mem>>
      %dma_start3A_83 = arith.constant 0 : i32
      %dma_start3A_84 = tpu.memref_slice %arg10[%mul3A_20, %dma_start3A_83] : memref<10240x128xf32, #tpu.memory_space<vmem_shared>> -> memref<640x128xf32, #tpu.memory_space<vmem_shared>>
      %dma_start3A_85 = arith.constant 0 : i32
      %dma_start3A_86 = tpu.memref_slice %arg4[%mul3A_18, %dma_start3A_85] : memref<10240x128xf32, #tpu.memory_space<hbm>> -> memref<640x128xf32, #tpu.memory_space<hbm>>
      tpu.enqueue_dma source(%dma_start3A_86 : memref<640x128xf32, #tpu.memory_space<hbm>>) target(%dma_start3A_84 : memref<640x128xf32, #tpu.memory_space<vmem_shared>>) target_semaphore(%run_scoped3A_82 : memref<!tpu.dma_semaphore, #tpu.memory_space<semaphore_mem>>)
      %dma_wait3A_87 = arith.constant 0 : i32
      %dma_wait3A_88 = tpu.memref_slice %arg10[%mul3A_20, %dma_wait3A_87] : memref<10240x128xf32, #tpu.memory_space<vmem_shared>> -> memref<640x128xf32, #tpu.memory_space<vmem_shared>>
      %dma_wait3A_89 = arith.constant 0 : i32
      %dma_wait3A_90 = tpu.memref_slice %arg4[%mul3A_18, %dma_wait3A_89] : memref<10240x128xf32, #tpu.memory_space<hbm>> -> memref<640x128xf32, #tpu.memory_space<hbm>>
      tpu.wait_dma2 semaphore(%run_scoped3A_82 : memref<!tpu.dma_semaphore, #tpu.memory_space<semaphore_mem>>) src(%dma_wait3A_90 : memref<640x128xf32, #tpu.memory_space<hbm>>) dst(%dma_wait3A_88 : memref<640x128xf32, #tpu.memory_space<vmem_shared>>)
      tpu.yield
    }) : () -> ()
    %barrier3A = arith.constant 0 : index
    tpu.barrier barrier_id(%barrier3A)
    %scan3A = arith.constant 0 : i32
    %scan3A_21 = arith.constant 0 : i32
    %scan3A_22 = arith.constant 20 : i32
    %scan3A_23 = arith.addi %scan3A_21, %scan3A_22 : i32
    %scan3A_24 = arith.constant 1 : i32
    scf.for %scan3A_82 = %scan3A_21 to %scan3A_23 step %scan3A_24  : i32 {
      %mul3A_83 = arith.constant 2 : i32
      %mul3A_84 = arith.muli %mul3A_83, %scan3A_82 : i32
      %add3A_85 = arith.constant 1 : i32
      %add3A_86 = arith.addi %mul3A_84, %add3A_85 : i32
      %dma_wait3A_87 = arith.constant 0 : i32
      %dma_wait3A_88 = tpu.memref_slice %arg6[%mul3A_84, %dma_wait3A_87] : memref<40x125xi32, #tpu.memory_space<vmem>> -> memref<1x125xi32, #tpu.memory_space<vmem>>
      %dma_wait3A_89 = tpu.memref_squeeze %dma_wait3A_88 : memref<1x125xi32, #tpu.memory_space<vmem>> -> memref<125xi32, #tpu.memory_space<vmem>>
      %dma_wait3A_90 = arith.constant 0 : i32
      %dma_wait3A_91 = arith.constant 0 : i32
      %dma_wait3A_92 = tpu.memref_slice %arg2[%dma_wait3A_90, %dma_wait3A_91] : memref<10240x128xf32, #tpu.memory_space<hbm>> -> memref<10240x128xf32, #tpu.memory_space<hbm>>
      tpu.wait_indirect_dma semaphore(%arg11 : memref<!tpu.dma_semaphore, #tpu.memory_space<semaphore_mem>>) src(%dma_wait3A_92 : memref<10240x128xf32, #tpu.memory_space<hbm>>) dst(%arg8 : memref<125x128xf32, #tpu.memory_space<vmem>>)
      "tpu.region"() ({
        %run_scoped3A_118 = tpu.sem_alloc : memref<!tpu.dma_semaphore, #tpu.memory_space<semaphore_mem>>
        %dma_start3A_119 = arith.constant 0 : i32
        %dma_start3A_120 = tpu.memref_slice %arg7[%mul3A_84, %dma_start3A_119] : memref<40x125xi32, #tpu.memory_space<vmem>> -> memref<1x125xi32, #tpu.memory_space<vmem>>
        %dma_start3A_121 = tpu.memref_squeeze %dma_start3A_120 : memref<1x125xi32, #tpu.memory_space<vmem>> -> memref<125xi32, #tpu.memory_space<vmem>>
        %dma_start3A_122 = arith.constant 0 : i32
        %dma_start3A_123 = arith.constant 0 : i32
        %dma_start3A_124 = tpu.memref_slice %arg10[%dma_start3A_122, %dma_start3A_123] : memref<10240x128xf32, #tpu.memory_space<vmem_shared>> -> memref<10240x128xf32, #tpu.memory_space<vmem_shared>>
        tpu.enqueue_indirect_dma source(%arg8 : memref<125x128xf32, #tpu.memory_space<vmem>>) target(%dma_start3A_124 : memref<10240x128xf32, #tpu.memory_space<vmem_shared>>) offsets(%dma_start3A_121 : memref<125xi32, #tpu.memory_space<vmem>>) semaphore(%run_scoped3A_118 : memref<!tpu.dma_semaphore, #tpu.memory_space<semaphore_mem>>) {add = true}
        %dma_wait3A_125 = arith.constant 0 : i32
        %dma_wait3A_126 = tpu.memref_slice %arg7[%mul3A_84, %dma_wait3A_125] : memref<40x125xi32, #tpu.memory_space<vmem>> -> memref<1x125xi32, #tpu.memory_space<vmem>>
        %dma_wait3A_127 = tpu.memref_squeeze %dma_wait3A_126 : memref<1x125xi32, #tpu.memory_space<vmem>> -> memref<125xi32, #tpu.memory_space<vmem>>
        %dma_wait3A_128 = arith.constant 0 : i32
        %dma_wait3A_129 = arith.constant 0 : i32
        %dma_wait3A_130 = tpu.memref_slice %arg10[%dma_wait3A_128, %dma_wait3A_129] : memref<10240x128xf32, #tpu.memory_space<vmem_shared>> -> memref<10240x128xf32, #tpu.memory_space<vmem_shared>>
        tpu.wait_indirect_dma semaphore(%run_scoped3A_118 : memref<!tpu.dma_semaphore, #tpu.memory_space<semaphore_mem>>) src(%arg8 : memref<125x128xf32, #tpu.memory_space<vmem>>) dst(%dma_wait3A_130 : memref<10240x128xf32, #tpu.memory_space<vmem_shared>>)
        tpu.yield
      }) : () -> ()
      %add3A_93 = arith.constant 2 : i32
      %add3A_94 = arith.addi %mul3A_84, %add3A_93 : i32
      %min3A = arith.constant 39 : i32
      %min3A_95 = arith.minsi %add3A_94, %min3A : i32
      %dma_start3A_96 = arith.constant 0 : i32
      %dma_start3A_97 = tpu.memref_slice %arg6[%min3A_95, %dma_start3A_96] : memref<40x125xi32, #tpu.memory_space<vmem>> -> memref<1x125xi32, #tpu.memory_space<vmem>>
      %dma_start3A_98 = tpu.memref_squeeze %dma_start3A_97 : memref<1x125xi32, #tpu.memory_space<vmem>> -> memref<125xi32, #tpu.memory_space<vmem>>
      %dma_start3A_99 = arith.constant 0 : i32
      %dma_start3A_100 = arith.constant 0 : i32
      %dma_start3A_101 = tpu.memref_slice %arg2[%dma_start3A_99, %dma_start3A_100] : memref<10240x128xf32, #tpu.memory_space<hbm>> -> memref<10240x128xf32, #tpu.memory_space<hbm>>
      tpu.enqueue_indirect_dma source(%dma_start3A_101 : memref<10240x128xf32, #tpu.memory_space<hbm>>) target(%arg8 : memref<125x128xf32, #tpu.memory_space<vmem>>) offsets(%dma_start3A_98 : memref<125xi32, #tpu.memory_space<vmem>>) semaphore(%arg11 : memref<!tpu.dma_semaphore, #tpu.memory_space<semaphore_mem>>)
      %dma_wait3A_102 = arith.constant 0 : i32
      %dma_wait3A_103 = tpu.memref_slice %arg6[%add3A_86, %dma_wait3A_102] : memref<40x125xi32, #tpu.memory_space<vmem>> -> memref<1x125xi32, #tpu.memory_space<vmem>>
      %dma_wait3A_104 = tpu.memref_squeeze %dma_wait3A_103 : memref<1x125xi32, #tpu.memory_space<vmem>> -> memref<125xi32, #tpu.memory_space<vmem>>
      %dma_wait3A_105 = arith.constant 0 : i32
      %dma_wait3A_106 = arith.constant 0 : i32
      %dma_wait3A_107 = tpu.memref_slice %arg2[%dma_wait3A_105, %dma_wait3A_106] : memref<10240x128xf32, #tpu.memory_space<hbm>> -> memref<10240x128xf32, #tpu.memory_space<hbm>>
      tpu.wait_indirect_dma semaphore(%arg12 : memref<!tpu.dma_semaphore, #tpu.memory_space<semaphore_mem>>) src(%dma_wait3A_107 : memref<10240x128xf32, #tpu.memory_space<hbm>>) dst(%arg9 : memref<125x128xf32, #tpu.memory_space<vmem>>)
      "tpu.region"() ({
        %run_scoped3A_118 = tpu.sem_alloc : memref<!tpu.dma_semaphore, #tpu.memory_space<semaphore_mem>>
        %dma_start3A_119 = arith.constant 0 : i32
        %dma_start3A_120 = tpu.memref_slice %arg7[%add3A_86, %dma_start3A_119] : memref<40x125xi32, #tpu.memory_space<vmem>> -> memref<1x125xi32, #tpu.memory_space<vmem>>
        %dma_start3A_121 = tpu.memref_squeeze %dma_start3A_120 : memref<1x125xi32, #tpu.memory_space<vmem>> -> memref<125xi32, #tpu.memory_space<vmem>>
        %dma_start3A_122 = arith.constant 0 : i32
        %dma_start3A_123 = arith.constant 0 : i32
        %dma_start3A_124 = tpu.memref_slice %arg10[%dma_start3A_122, %dma_start3A_123] : memref<10240x128xf32, #tpu.memory_space<vmem_shared>> -> memref<10240x128xf32, #tpu.memory_space<vmem_shared>>
        tpu.enqueue_indirect_dma source(%arg9 : memref<125x128xf32, #tpu.memory_space<vmem>>) target(%dma_start3A_124 : memref<10240x128xf32, #tpu.memory_space<vmem_shared>>) offsets(%dma_start3A_121 : memref<125xi32, #tpu.memory_space<vmem>>) semaphore(%run_scoped3A_118 : memref<!tpu.dma_semaphore, #tpu.memory_space<semaphore_mem>>) {add = true}
        %dma_wait3A_125 = arith.constant 0 : i32
        %dma_wait3A_126 = tpu.memref_slice %arg7[%add3A_86, %dma_wait3A_125] : memref<40x125xi32, #tpu.memory_space<vmem>> -> memref<1x125xi32, #tpu.memory_space<vmem>>
        %dma_wait3A_127 = tpu.memref_squeeze %dma_wait3A_126 : memref<1x125xi32, #tpu.memory_space<vmem>> -> memref<125xi32, #tpu.memory_space<vmem>>
        %dma_wait3A_128 = arith.constant 0 : i32
        %dma_wait3A_129 = arith.constant 0 : i32
        %dma_wait3A_130 = tpu.memref_slice %arg10[%dma_wait3A_128, %dma_wait3A_129] : memref<10240x128xf32, #tpu.memory_space<vmem_shared>> -> memref<10240x128xf32, #tpu.memory_space<vmem_shared>>
        tpu.wait_indirect_dma semaphore(%run_scoped3A_118 : memref<!tpu.dma_semaphore, #tpu.memory_space<semaphore_mem>>) src(%arg9 : memref<125x128xf32, #tpu.memory_space<vmem>>) dst(%dma_wait3A_130 : memref<10240x128xf32, #tpu.memory_space<vmem_shared>>)
        tpu.yield
      }) : () -> ()
      %add3A_108 = arith.constant 2 : i32
      %add3A_109 = arith.addi %add3A_86, %add3A_108 : i32
      %min3A_110 = arith.constant 39 : i32
      %min3A_111 = arith.minsi %add3A_109, %min3A_110 : i32
      %dma_start3A_112 = arith.constant 0 : i32
      %dma_start3A_113 = tpu.memref_slice %arg6[%min3A_111, %dma_start3A_112] : memref<40x125xi32, #tpu.memory_space<vmem>> -> memref<1x125xi32, #tpu.memory_space<vmem>>
      %dma_start3A_114 = tpu.memref_squeeze %dma_start3A_113 : memref<1x125xi32, #tpu.memory_space<vmem>> -> memref<125xi32, #tpu.memory_space<vmem>>
      %dma_start3A_115 = arith.constant 0 : i32
      %dma_start3A_116 = arith.constant 0 : i32
      %dma_start3A_117 = tpu.memref_slice %arg2[%dma_start3A_115, %dma_start3A_116] : memref<10240x128xf32, #tpu.memory_space<hbm>> -> memref<10240x128xf32, #tpu.memory_space<hbm>>
      tpu.enqueue_indirect_dma source(%dma_start3A_117 : memref<10240x128xf32, #tpu.memory_space<hbm>>) target(%arg9 : memref<125x128xf32, #tpu.memory_space<vmem>>) offsets(%dma_start3A_114 : memref<125xi32, #tpu.memory_space<vmem>>) semaphore(%arg12 : memref<!tpu.dma_semaphore, #tpu.memory_space<semaphore_mem>>)
    }
    %scan3A_25 = arith.constant 20 : i32
    %dma_wait3A = arith.constant 0 : i32
    %dma_wait3A_26 = arith.constant 0 : i32
    %dma_wait3A_27 = tpu.memref_slice %arg6[%dma_wait3A, %dma_wait3A_26] : memref<40x125xi32, #tpu.memory_space<vmem>> -> memref<1x125xi32, #tpu.memory_space<vmem>>
    %dma_wait3A_28 = tpu.memref_squeeze %dma_wait3A_27 : memref<1x125xi32, #tpu.memory_space<vmem>> -> memref<125xi32, #tpu.memory_space<vmem>>
    %dma_wait3A_29 = arith.constant 0 : i32
    %dma_wait3A_30 = arith.constant 0 : i32
    %dma_wait3A_31 = tpu.memref_slice %arg2[%dma_wait3A_29, %dma_wait3A_30] : memref<10240x128xf32, #tpu.memory_space<hbm>> -> memref<10240x128xf32, #tpu.memory_space<hbm>>
    tpu.wait_indirect_dma semaphore(%arg11 : memref<!tpu.dma_semaphore, #tpu.memory_space<semaphore_mem>>) src(%dma_wait3A_31 : memref<10240x128xf32, #tpu.memory_space<hbm>>) dst(%arg8 : memref<125x128xf32, #tpu.memory_space<vmem>>)
    %dma_wait3A_32 = arith.constant 0 : i32
    %dma_wait3A_33 = arith.constant 0 : i32
    %dma_wait3A_34 = tpu.memref_slice %arg6[%dma_wait3A_32, %dma_wait3A_33] : memref<40x125xi32, #tpu.memory_space<vmem>> -> memref<1x125xi32, #tpu.memory_space<vmem>>
    %dma_wait3A_35 = tpu.memref_squeeze %dma_wait3A_34 : memref<1x125xi32, #tpu.memory_space<vmem>> -> memref<125xi32, #tpu.memory_space<vmem>>
    %dma_wait3A_36 = arith.constant 0 : i32
    %dma_wait3A_37 = arith.constant 0 : i32
    %dma_wait3A_38 = tpu.memref_slice %arg2[%dma_wait3A_36, %dma_wait3A_37] : memref<10240x128xf32, #tpu.memory_space<hbm>> -> memref<10240x128xf32, #tpu.memory_space<hbm>>
    tpu.wait_indirect_dma semaphore(%arg12 : memref<!tpu.dma_semaphore, #tpu.memory_space<semaphore_mem>>) src(%dma_wait3A_38 : memref<10240x128xf32, #tpu.memory_space<hbm>>) dst(%arg9 : memref<125x128xf32, #tpu.memory_space<vmem>>)
    %run_scoped3A_39 = arith.constant 0 : i32
    %run_scoped3A_40 = arith.constant 1 : i32
    "tpu.region"() ({
      %run_scoped3A_82 = tpu.sem_alloc : memref<!tpu.dma_semaphore, #tpu.memory_space<semaphore_mem>>
      %dma_start3A_83 = arith.constant 0 : i32
      %dma_start3A_84 = arith.constant 0 : i32
      %dma_start3A_85 = tpu.memref_slice %arg3[%run_scoped3A_39, %add3A, %run_scoped3A_40, %dma_start3A_83, %dma_start3A_84] : memref<2x32x2x40x125xi32, #tpu.memory_space<hbm>> -> memref<1x1x1x40x125xi32, #tpu.memory_space<hbm>>
      %dma_start3A_86 = tpu.memref_squeeze %dma_start3A_85 : memref<1x1x1x40x125xi32, #tpu.memory_space<hbm>> -> memref<40x125xi32, #tpu.memory_space<hbm>>
      %dma_start3A_87 = arith.constant 0 : i32
      %dma_start3A_88 = arith.constant 0 : i32
      %dma_start3A_89 = tpu.memref_slice %arg3[%run_scoped3A_39, %add3A, %run_scoped3A_40, %dma_start3A_87, %dma_start3A_88] : memref<2x32x2x40x125xi32, #tpu.memory_space<hbm>> -> memref<1x1x1x40x125xi32, #tpu.memory_space<hbm>>
      %dma_start3A_90 = tpu.memref_squeeze %dma_start3A_89 : memref<1x1x1x40x125xi32, #tpu.memory_space<hbm>> -> memref<40x125xi32, #tpu.memory_space<hbm>>
      tpu.enqueue_dma source(%dma_start3A_90 : memref<40x125xi32, #tpu.memory_space<hbm>>) target(%arg6 : memref<40x125xi32, #tpu.memory_space<vmem>>) target_semaphore(%run_scoped3A_82 : memref<!tpu.dma_semaphore, #tpu.memory_space<semaphore_mem>>)
      %dma_wait3A_91 = arith.constant 0 : i32
      %dma_wait3A_92 = arith.constant 0 : i32
      %dma_wait3A_93 = tpu.memref_slice %arg3[%run_scoped3A_39, %add3A, %run_scoped3A_40, %dma_wait3A_91, %dma_wait3A_92] : memref<2x32x2x40x125xi32, #tpu.memory_space<hbm>> -> memref<1x1x1x40x125xi32, #tpu.memory_space<hbm>>
      %dma_wait3A_94 = tpu.memref_squeeze %dma_wait3A_93 : memref<1x1x1x40x125xi32, #tpu.memory_space<hbm>> -> memref<40x125xi32, #tpu.memory_space<hbm>>
      %dma_wait3A_95 = arith.constant 0 : i32
      %dma_wait3A_96 = arith.constant 0 : i32
      %dma_wait3A_97 = tpu.memref_slice %arg3[%run_scoped3A_39, %add3A, %run_scoped3A_40, %dma_wait3A_95, %dma_wait3A_96] : memref<2x32x2x40x125xi32, #tpu.memory_space<hbm>> -> memref<1x1x1x40x125xi32, #tpu.memory_space<hbm>>
      %dma_wait3A_98 = tpu.memref_squeeze %dma_wait3A_97 : memref<1x1x1x40x125xi32, #tpu.memory_space<hbm>> -> memref<40x125xi32, #tpu.memory_space<hbm>>
      tpu.wait_dma2 semaphore(%run_scoped3A_82 : memref<!tpu.dma_semaphore, #tpu.memory_space<semaphore_mem>>) src(%dma_wait3A_98 : memref<40x125xi32, #tpu.memory_space<hbm>>) dst(%arg6 : memref<40x125xi32, #tpu.memory_space<vmem>>)
      tpu.yield
    }) : () -> ()
    %run_scoped3A_41 = arith.constant 1 : i32
    %run_scoped3A_42 = arith.constant 1 : i32
    "tpu.region"() ({
      %run_scoped3A_82 = tpu.sem_alloc : memref<!tpu.dma_semaphore, #tpu.memory_space<semaphore_mem>>
      %dma_start3A_83 = arith.constant 0 : i32
      %dma_start3A_84 = arith.constant 0 : i32
      %dma_start3A_85 = tpu.memref_slice %arg3[%run_scoped3A_41, %add3A, %run_scoped3A_42, %dma_start3A_83, %dma_start3A_84] : memref<2x32x2x40x125xi32, #tpu.memory_space<hbm>> -> memref<1x1x1x40x125xi32, #tpu.memory_space<hbm>>
      %dma_start3A_86 = tpu.memref_squeeze %dma_start3A_85 : memref<1x1x1x40x125xi32, #tpu.memory_space<hbm>> -> memref<40x125xi32, #tpu.memory_space<hbm>>
      %dma_start3A_87 = arith.constant 0 : i32
      %dma_start3A_88 = arith.constant 0 : i32
      %dma_start3A_89 = tpu.memref_slice %arg3[%run_scoped3A_41, %add3A, %run_scoped3A_42, %dma_start3A_87, %dma_start3A_88] : memref<2x32x2x40x125xi32, #tpu.memory_space<hbm>> -> memref<1x1x1x40x125xi32, #tpu.memory_space<hbm>>
      %dma_start3A_90 = tpu.memref_squeeze %dma_start3A_89 : memref<1x1x1x40x125xi32, #tpu.memory_space<hbm>> -> memref<40x125xi32, #tpu.memory_space<hbm>>
      tpu.enqueue_dma source(%dma_start3A_90 : memref<40x125xi32, #tpu.memory_space<hbm>>) target(%arg7 : memref<40x125xi32, #tpu.memory_space<vmem>>) target_semaphore(%run_scoped3A_82 : memref<!tpu.dma_semaphore, #tpu.memory_space<semaphore_mem>>)
      %dma_wait3A_91 = arith.constant 0 : i32
      %dma_wait3A_92 = arith.constant 0 : i32
      %dma_wait3A_93 = tpu.memref_slice %arg3[%run_scoped3A_41, %add3A, %run_scoped3A_42, %dma_wait3A_91, %dma_wait3A_92] : memref<2x32x2x40x125xi32, #tpu.memory_space<hbm>> -> memref<1x1x1x40x125xi32, #tpu.memory_space<hbm>>
      %dma_wait3A_94 = tpu.memref_squeeze %dma_wait3A_93 : memref<1x1x1x40x125xi32, #tpu.memory_space<hbm>> -> memref<40x125xi32, #tpu.memory_space<hbm>>
      %dma_wait3A_95 = arith.constant 0 : i32
      %dma_wait3A_96 = arith.constant 0 : i32
      %dma_wait3A_97 = tpu.memref_slice %arg3[%run_scoped3A_41, %add3A, %run_scoped3A_42, %dma_wait3A_95, %dma_wait3A_96] : memref<2x32x2x40x125xi32, #tpu.memory_space<hbm>> -> memref<1x1x1x40x125xi32, #tpu.memory_space<hbm>>
      %dma_wait3A_98 = tpu.memref_squeeze %dma_wait3A_97 : memref<1x1x1x40x125xi32, #tpu.memory_space<hbm>> -> memref<40x125xi32, #tpu.memory_space<hbm>>
      tpu.wait_dma2 semaphore(%run_scoped3A_82 : memref<!tpu.dma_semaphore, #tpu.memory_space<semaphore_mem>>) src(%dma_wait3A_98 : memref<40x125xi32, #tpu.memory_space<hbm>>) dst(%arg7 : memref<40x125xi32, #tpu.memory_space<vmem>>)
      tpu.yield
    }) : () -> ()
    %dma_start3A_43 = arith.constant 0 : i32
    %dma_start3A_44 = arith.constant 0 : i32
    %dma_start3A_45 = tpu.memref_slice %arg6[%dma_start3A_43, %dma_start3A_44] : memref<40x125xi32, #tpu.memory_space<vmem>> -> memref<1x125xi32, #tpu.memory_space<vmem>>
    %dma_start3A_46 = tpu.memref_squeeze %dma_start3A_45 : memref<1x125xi32, #tpu.memory_space<vmem>> -> memref<125xi32, #tpu.memory_space<vmem>>
    %dma_start3A_47 = arith.constant 0 : i32
    %dma_start3A_48 = arith.constant 0 : i32
    %dma_start3A_49 = tpu.memref_slice %arg2[%dma_start3A_47, %dma_start3A_48] : memref<10240x128xf32, #tpu.memory_space<hbm>> -> memref<10240x128xf32, #tpu.memory_space<hbm>>
    tpu.enqueue_indirect_dma source(%dma_start3A_49 : memref<10240x128xf32, #tpu.memory_space<hbm>>) target(%arg8 : memref<125x128xf32, #tpu.memory_space<vmem>>) offsets(%dma_start3A_46 : memref<125xi32, #tpu.memory_space<vmem>>) semaphore(%arg11 : memref<!tpu.dma_semaphore, #tpu.memory_space<semaphore_mem>>)
    %dma_start3A_50 = arith.constant 1 : i32
    %dma_start3A_51 = arith.constant 0 : i32
    %dma_start3A_52 = tpu.memref_slice %arg6[%dma_start3A_50, %dma_start3A_51] : memref<40x125xi32, #tpu.memory_space<vmem>> -> memref<1x125xi32, #tpu.memory_space<vmem>>
    %dma_start3A_53 = tpu.memref_squeeze %dma_start3A_52 : memref<1x125xi32, #tpu.memory_space<vmem>> -> memref<125xi32, #tpu.memory_space<vmem>>
    %dma_start3A_54 = arith.constant 0 : i32
    %dma_start3A_55 = arith.constant 0 : i32
    %dma_start3A_56 = tpu.memref_slice %arg2[%dma_start3A_54, %dma_start3A_55] : memref<10240x128xf32, #tpu.memory_space<hbm>> -> memref<10240x128xf32, #tpu.memory_space<hbm>>
    tpu.enqueue_indirect_dma source(%dma_start3A_56 : memref<10240x128xf32, #tpu.memory_space<hbm>>) target(%arg9 : memref<125x128xf32, #tpu.memory_space<vmem>>) offsets(%dma_start3A_53 : memref<125xi32, #tpu.memory_space<vmem>>) semaphore(%arg12 : memref<!tpu.dma_semaphore, #tpu.memory_space<semaphore_mem>>)
    %scan3A_57 = arith.constant 0 : i32
    %scan3A_58 = arith.constant 0 : i32
    %scan3A_59 = arith.constant 20 : i32
    %scan3A_60 = arith.addi %scan3A_58, %scan3A_59 : i32
    %scan3A_61 = arith.constant 1 : i32
    scf.for %scan3A_82 = %scan3A_58 to %scan3A_60 step %scan3A_61  : i32 {
      %mul3A_83 = arith.constant 2 : i32
      %mul3A_84 = arith.muli %mul3A_83, %scan3A_82 : i32
      %add3A_85 = arith.constant 1 : i32
      %add3A_86 = arith.addi %mul3A_84, %add3A_85 : i32
      %dma_wait3A_87 = arith.constant 0 : i32
      %dma_wait3A_88 = tpu.memref_slice %arg6[%mul3A_84, %dma_wait3A_87] : memref<40x125xi32, #tpu.memory_space<vmem>> -> memref<1x125xi32, #tpu.memory_space<vmem>>
      %dma_wait3A_89 = tpu.memref_squeeze %dma_wait3A_88 : memref<1x125xi32, #tpu.memory_space<vmem>> -> memref<125xi32, #tpu.memory_space<vmem>>
      %dma_wait3A_90 = arith.constant 0 : i32
      %dma_wait3A_91 = arith.constant 0 : i32
      %dma_wait3A_92 = tpu.memref_slice %arg2[%dma_wait3A_90, %dma_wait3A_91] : memref<10240x128xf32, #tpu.memory_space<hbm>> -> memref<10240x128xf32, #tpu.memory_space<hbm>>
      tpu.wait_indirect_dma semaphore(%arg11 : memref<!tpu.dma_semaphore, #tpu.memory_space<semaphore_mem>>) src(%dma_wait3A_92 : memref<10240x128xf32, #tpu.memory_space<hbm>>) dst(%arg8 : memref<125x128xf32, #tpu.memory_space<vmem>>)
      "tpu.region"() ({
        %run_scoped3A_118 = tpu.sem_alloc : memref<!tpu.dma_semaphore, #tpu.memory_space<semaphore_mem>>
        %dma_start3A_119 = arith.constant 0 : i32
        %dma_start3A_120 = tpu.memref_slice %arg7[%mul3A_84, %dma_start3A_119] : memref<40x125xi32, #tpu.memory_space<vmem>> -> memref<1x125xi32, #tpu.memory_space<vmem>>
        %dma_start3A_121 = tpu.memref_squeeze %dma_start3A_120 : memref<1x125xi32, #tpu.memory_space<vmem>> -> memref<125xi32, #tpu.memory_space<vmem>>
        %dma_start3A_122 = arith.constant 0 : i32
        %dma_start3A_123 = arith.constant 0 : i32
        %dma_start3A_124 = tpu.memref_slice %arg10[%dma_start3A_122, %dma_start3A_123] : memref<10240x128xf32, #tpu.memory_space<vmem_shared>> -> memref<10240x128xf32, #tpu.memory_space<vmem_shared>>
        tpu.enqueue_indirect_dma source(%arg8 : memref<125x128xf32, #tpu.memory_space<vmem>>) target(%dma_start3A_124 : memref<10240x128xf32, #tpu.memory_space<vmem_shared>>) offsets(%dma_start3A_121 : memref<125xi32, #tpu.memory_space<vmem>>) semaphore(%run_scoped3A_118 : memref<!tpu.dma_semaphore, #tpu.memory_space<semaphore_mem>>) {add = true}
        %dma_wait3A_125 = arith.constant 0 : i32
        %dma_wait3A_126 = tpu.memref_slice %arg7[%mul3A_84, %dma_wait3A_125] : memref<40x125xi32, #tpu.memory_space<vmem>> -> memref<1x125xi32, #tpu.memory_space<vmem>>
        %dma_wait3A_127 = tpu.memref_squeeze %dma_wait3A_126 : memref<1x125xi32, #tpu.memory_space<vmem>> -> memref<125xi32, #tpu.memory_space<vmem>>
        %dma_wait3A_128 = arith.constant 0 : i32
        %dma_wait3A_129 = arith.constant 0 : i32
        %dma_wait3A_130 = tpu.memref_slice %arg10[%dma_wait3A_128, %dma_wait3A_129] : memref<10240x128xf32, #tpu.memory_space<vmem_shared>> -> memref<10240x128xf32, #tpu.memory_space<vmem_shared>>
        tpu.wait_indirect_dma semaphore(%run_scoped3A_118 : memref<!tpu.dma_semaphore, #tpu.memory_space<semaphore_mem>>) src(%arg8 : memref<125x128xf32, #tpu.memory_space<vmem>>) dst(%dma_wait3A_130 : memref<10240x128xf32, #tpu.memory_space<vmem_shared>>)
        tpu.yield
      }) : () -> ()
      %add3A_93 = arith.constant 2 : i32
      %add3A_94 = arith.addi %mul3A_84, %add3A_93 : i32
      %min3A = arith.constant 39 : i32
      %min3A_95 = arith.minsi %add3A_94, %min3A : i32
      %dma_start3A_96 = arith.constant 0 : i32
      %dma_start3A_97 = tpu.memref_slice %arg6[%min3A_95, %dma_start3A_96] : memref<40x125xi32, #tpu.memory_space<vmem>> -> memref<1x125xi32, #tpu.memory_space<vmem>>
      %dma_start3A_98 = tpu.memref_squeeze %dma_start3A_97 : memref<1x125xi32, #tpu.memory_space<vmem>> -> memref<125xi32, #tpu.memory_space<vmem>>
      %dma_start3A_99 = arith.constant 0 : i32
      %dma_start3A_100 = arith.constant 0 : i32
      %dma_start3A_101 = tpu.memref_slice %arg2[%dma_start3A_99, %dma_start3A_100] : memref<10240x128xf32, #tpu.memory_space<hbm>> -> memref<10240x128xf32, #tpu.memory_space<hbm>>
      tpu.enqueue_indirect_dma source(%dma_start3A_101 : memref<10240x128xf32, #tpu.memory_space<hbm>>) target(%arg8 : memref<125x128xf32, #tpu.memory_space<vmem>>) offsets(%dma_start3A_98 : memref<125xi32, #tpu.memory_space<vmem>>) semaphore(%arg11 : memref<!tpu.dma_semaphore, #tpu.memory_space<semaphore_mem>>)
      %dma_wait3A_102 = arith.constant 0 : i32
      %dma_wait3A_103 = tpu.memref_slice %arg6[%add3A_86, %dma_wait3A_102] : memref<40x125xi32, #tpu.memory_space<vmem>> -> memref<1x125xi32, #tpu.memory_space<vmem>>
      %dma_wait3A_104 = tpu.memref_squeeze %dma_wait3A_103 : memref<1x125xi32, #tpu.memory_space<vmem>> -> memref<125xi32, #tpu.memory_space<vmem>>
      %dma_wait3A_105 = arith.constant 0 : i32
      %dma_wait3A_106 = arith.constant 0 : i32
      %dma_wait3A_107 = tpu.memref_slice %arg2[%dma_wait3A_105, %dma_wait3A_106] : memref<10240x128xf32, #tpu.memory_space<hbm>> -> memref<10240x128xf32, #tpu.memory_space<hbm>>
      tpu.wait_indirect_dma semaphore(%arg12 : memref<!tpu.dma_semaphore, #tpu.memory_space<semaphore_mem>>) src(%dma_wait3A_107 : memref<10240x128xf32, #tpu.memory_space<hbm>>) dst(%arg9 : memref<125x128xf32, #tpu.memory_space<vmem>>)
      "tpu.region"() ({
        %run_scoped3A_118 = tpu.sem_alloc : memref<!tpu.dma_semaphore, #tpu.memory_space<semaphore_mem>>
        %dma_start3A_119 = arith.constant 0 : i32
        %dma_start3A_120 = tpu.memref_slice %arg7[%add3A_86, %dma_start3A_119] : memref<40x125xi32, #tpu.memory_space<vmem>> -> memref<1x125xi32, #tpu.memory_space<vmem>>
        %dma_start3A_121 = tpu.memref_squeeze %dma_start3A_120 : memref<1x125xi32, #tpu.memory_space<vmem>> -> memref<125xi32, #tpu.memory_space<vmem>>
        %dma_start3A_122 = arith.constant 0 : i32
        %dma_start3A_123 = arith.constant 0 : i32
        %dma_start3A_124 = tpu.memref_slice %arg10[%dma_start3A_122, %dma_start3A_123] : memref<10240x128xf32, #tpu.memory_space<vmem_shared>> -> memref<10240x128xf32, #tpu.memory_space<vmem_shared>>
        tpu.enqueue_indirect_dma source(%arg9 : memref<125x128xf32, #tpu.memory_space<vmem>>) target(%dma_start3A_124 : memref<10240x128xf32, #tpu.memory_space<vmem_shared>>) offsets(%dma_start3A_121 : memref<125xi32, #tpu.memory_space<vmem>>) semaphore(%run_scoped3A_118 : memref<!tpu.dma_semaphore, #tpu.memory_space<semaphore_mem>>) {add = true}
        %dma_wait3A_125 = arith.constant 0 : i32
        %dma_wait3A_126 = tpu.memref_slice %arg7[%add3A_86, %dma_wait3A_125] : memref<40x125xi32, #tpu.memory_space<vmem>> -> memref<1x125xi32, #tpu.memory_space<vmem>>
        %dma_wait3A_127 = tpu.memref_squeeze %dma_wait3A_126 : memref<1x125xi32, #tpu.memory_space<vmem>> -> memref<125xi32, #tpu.memory_space<vmem>>
        %dma_wait3A_128 = arith.constant 0 : i32
        %dma_wait3A_129 = arith.constant 0 : i32
        %dma_wait3A_130 = tpu.memref_slice %arg10[%dma_wait3A_128, %dma_wait3A_129] : memref<10240x128xf32, #tpu.memory_space<vmem_shared>> -> memref<10240x128xf32, #tpu.memory_space<vmem_shared>>
        tpu.wait_indirect_dma semaphore(%run_scoped3A_118 : memref<!tpu.dma_semaphore, #tpu.memory_space<semaphore_mem>>) src(%arg9 : memref<125x128xf32, #tpu.memory_space<vmem>>) dst(%dma_wait3A_130 : memref<10240x128xf32, #tpu.memory_space<vmem_shared>>)
        tpu.yield
      }) : () -> ()
      %add3A_108 = arith.constant 2 : i32
      %add3A_109 = arith.addi %add3A_86, %add3A_108 : i32
      %min3A_110 = arith.constant 39 : i32
      %min3A_111 = arith.minsi %add3A_109, %min3A_110 : i32
      %dma_start3A_112 = arith.constant 0 : i32
      %dma_start3A_113 = tpu.memref_slice %arg6[%min3A_111, %dma_start3A_112] : memref<40x125xi32, #tpu.memory_space<vmem>> -> memref<1x125xi32, #tpu.memory_space<vmem>>
      %dma_start3A_114 = tpu.memref_squeeze %dma_start3A_113 : memref<1x125xi32, #tpu.memory_space<vmem>> -> memref<125xi32, #tpu.memory_space<vmem>>
      %dma_start3A_115 = arith.constant 0 : i32
      %dma_start3A_116 = arith.constant 0 : i32
      %dma_start3A_117 = tpu.memref_slice %arg2[%dma_start3A_115, %dma_start3A_116] : memref<10240x128xf32, #tpu.memory_space<hbm>> -> memref<10240x128xf32, #tpu.memory_space<hbm>>
      tpu.enqueue_indirect_dma source(%dma_start3A_117 : memref<10240x128xf32, #tpu.memory_space<hbm>>) target(%arg9 : memref<125x128xf32, #tpu.memory_space<vmem>>) offsets(%dma_start3A_114 : memref<125xi32, #tpu.memory_space<vmem>>) semaphore(%arg12 : memref<!tpu.dma_semaphore, #tpu.memory_space<semaphore_mem>>)
    }
    %scan3A_62 = arith.constant 20 : i32
    %dma_wait3A_63 = arith.constant 0 : i32
    %dma_wait3A_64 = arith.constant 0 : i32
    %dma_wait3A_65 = tpu.memref_slice %arg6[%dma_wait3A_63, %dma_wait3A_64] : memref<40x125xi32, #tpu.memory_space<vmem>> -> memref<1x125xi32, #tpu.memory_space<vmem>>
    %dma_wait3A_66 = tpu.memref_squeeze %dma_wait3A_65 : memref<1x125xi32, #tpu.memory_space<vmem>> -> memref<125xi32, #tpu.memory_space<vmem>>
    %dma_wait3A_67 = arith.constant 0 : i32
    %dma_wait3A_68 = arith.constant 0 : i32
    %dma_wait3A_69 = tpu.memref_slice %arg2[%dma_wait3A_67, %dma_wait3A_68] : memref<10240x128xf32, #tpu.memory_space<hbm>> -> memref<10240x128xf32, #tpu.memory_space<hbm>>
    tpu.wait_indirect_dma semaphore(%arg11 : memref<!tpu.dma_semaphore, #tpu.memory_space<semaphore_mem>>) src(%dma_wait3A_69 : memref<10240x128xf32, #tpu.memory_space<hbm>>) dst(%arg8 : memref<125x128xf32, #tpu.memory_space<vmem>>)
    %dma_wait3A_70 = arith.constant 0 : i32
    %dma_wait3A_71 = arith.constant 0 : i32
    %dma_wait3A_72 = tpu.memref_slice %arg6[%dma_wait3A_70, %dma_wait3A_71] : memref<40x125xi32, #tpu.memory_space<vmem>> -> memref<1x125xi32, #tpu.memory_space<vmem>>
    %dma_wait3A_73 = tpu.memref_squeeze %dma_wait3A_72 : memref<1x125xi32, #tpu.memory_space<vmem>> -> memref<125xi32, #tpu.memory_space<vmem>>
    %dma_wait3A_74 = arith.constant 0 : i32
    %dma_wait3A_75 = arith.constant 0 : i32
    %dma_wait3A_76 = tpu.memref_slice %arg2[%dma_wait3A_74, %dma_wait3A_75] : memref<10240x128xf32, #tpu.memory_space<hbm>> -> memref<10240x128xf32, #tpu.memory_space<hbm>>
    tpu.wait_indirect_dma semaphore(%arg12 : memref<!tpu.dma_semaphore, #tpu.memory_space<semaphore_mem>>) src(%dma_wait3A_76 : memref<10240x128xf32, #tpu.memory_space<hbm>>) dst(%arg9 : memref<125x128xf32, #tpu.memory_space<vmem>>)
    %barrier3A_77 = arith.constant 0 : index
    tpu.barrier barrier_id(%barrier3A_77)
    %mul3A_78 = arith.constant 640 : i32
    %mul3A_79 = arith.muli %arg1, %mul3A_78 : i32
    %mul3A_80 = arith.constant 640 : i32
    %mul3A_81 = arith.muli %arg1, %mul3A_80 : i32
    "tpu.region"() ({
      %run_scoped3A_82 = tpu.sem_alloc : memref<!tpu.dma_semaphore, #tpu.memory_space<semaphore_mem>>
      %dma_start3A_83 = arith.constant 0 : i32
      %dma_start3A_84 = tpu.memref_slice %arg5[%arg0, %mul3A_81, %dma_start3A_83] : memref<2x10240x128xf32, #tpu.memory_space<hbm>> -> memref<1x640x128xf32, #tpu.memory_space<hbm>>
      %dma_start3A_85 = tpu.memref_squeeze %dma_start3A_84 : memref<1x640x128xf32, #tpu.memory_space<hbm>> -> memref<640x128xf32, #tpu.memory_space<hbm>>
      %dma_start3A_86 = arith.constant 0 : i32
      %dma_start3A_87 = tpu.memref_slice %arg10[%mul3A_79, %dma_start3A_86] : memref<10240x128xf32, #tpu.memory_space<vmem_shared>> -> memref<640x128xf32, #tpu.memory_space<vmem_shared>>
      tpu.enqueue_dma source(%dma_start3A_87 : memref<640x128xf32, #tpu.memory_space<vmem_shared>>) target(%dma_start3A_85 : memref<640x128xf32, #tpu.memory_space<hbm>>) target_semaphore(%run_scoped3A_82 : memref<!tpu.dma_semaphore, #tpu.memory_space<semaphore_mem>>)
      %dma_wait3A_88 = arith.constant 0 : i32
      %dma_wait3A_89 = tpu.memref_slice %arg5[%arg0, %mul3A_81, %dma_wait3A_88] : memref<2x10240x128xf32, #tpu.memory_space<hbm>> -> memref<1x640x128xf32, #tpu.memory_space<hbm>>
      %dma_wait3A_90 = tpu.memref_squeeze %dma_wait3A_89 : memref<1x640x128xf32, #tpu.memory_space<hbm>> -> memref<640x128xf32, #tpu.memory_space<hbm>>
      %dma_wait3A_91 = arith.constant 0 : i32
      %dma_wait3A_92 = tpu.memref_slice %arg10[%mul3A_79, %dma_wait3A_91] : memref<10240x128xf32, #tpu.memory_space<vmem_shared>> -> memref<640x128xf32, #tpu.memory_space<vmem_shared>>
      tpu.wait_dma2 semaphore(%run_scoped3A_82 : memref<!tpu.dma_semaphore, #tpu.memory_space<semaphore_mem>>) src(%dma_wait3A_92 : memref<640x128xf32, #tpu.memory_space<vmem_shared>>) dst(%dma_wait3A_90 : memref<640x128xf32, #tpu.memory_space<hbm>>)
      tpu.yield
    }) : () -> ()
    return
  }
}

#map = affine_map<(d0, d1) -> (0, 0, 0, 0, 0)>
#map1 = affine_map<(d0, d1) -> (0)>
#map2 = affine_map<(d0, d1) -> (0, 0)>
module attributes {stable_mosaic.version = 14 : i64} {
  func.func @_deg_kernel(%arg0: i32, %arg1: i32, %arg2: memref<2x32x2x40x125xi32, #tpu.memory_space<hbm>>, %arg3: memref<125xf32, #tpu.memory_space<hbm>>, %arg4: memref<10240xf32, #tpu.memory_space<hbm>>, %arg5: memref<2x10240xf32, #tpu.memory_space<hbm>>, %arg6: memref<2x40x125xi32, #tpu.memory_space<vmem>>, %arg7: memref<125xf32, #tpu.memory_space<vmem>>, %arg8: memref<10240xf32, #tpu.memory_space<vmem_shared>>, %arg9: memref<!tpu.dma_semaphore, #tpu.memory_space<semaphore_mem>>) attributes {dimension_semantics = [#tpu.dimension_semantics<core_parallel>, #tpu.dimension_semantics<subcore_parallel>], iteration_bounds = array<i64: 2, 16>, scalar_prefetch = 0 : i64, scratch_operands = 4 : i64, tpu.core_type = #tpu.core_type<sc_vector_subcore>, window_params = [{transform_indices = #map}, {transform_indices = #map1}, {transform_indices = #map1}, {transform_indices = #map2}]} {
    %mul3A = arith.constant 2 : i32
    %mul3A_0 = arith.muli %arg1, %mul3A : i32
    %add3A = arith.addi %mul3A_0, %arg0 : i32
    %mul3A_1 = arith.constant 640 : i32
    %mul3A_2 = arith.muli %arg1, %mul3A_1 : i32
    %mul3A_3 = arith.constant 640 : i32
    %mul3A_4 = arith.muli %arg1, %mul3A_3 : i32
    "tpu.region"() ({
      %run_scoped3A_33 = tpu.sem_alloc : memref<!tpu.dma_semaphore, #tpu.memory_space<semaphore_mem>>
      %dma_start3A = tpu.memref_slice %arg8[%mul3A_4] : memref<10240xf32, #tpu.memory_space<vmem_shared>> -> memref<640xf32, #tpu.memory_space<vmem_shared>>
      %dma_start3A_34 = tpu.memref_slice %arg4[%mul3A_2] : memref<10240xf32, #tpu.memory_space<hbm>> -> memref<640xf32, #tpu.memory_space<hbm>>
      tpu.enqueue_dma source(%dma_start3A_34 : memref<640xf32, #tpu.memory_space<hbm>>) target(%dma_start3A : memref<640xf32, #tpu.memory_space<vmem_shared>>) target_semaphore(%run_scoped3A_33 : memref<!tpu.dma_semaphore, #tpu.memory_space<semaphore_mem>>)
      %dma_wait3A = tpu.memref_slice %arg8[%mul3A_4] : memref<10240xf32, #tpu.memory_space<vmem_shared>> -> memref<640xf32, #tpu.memory_space<vmem_shared>>
      %dma_wait3A_35 = tpu.memref_slice %arg4[%mul3A_2] : memref<10240xf32, #tpu.memory_space<hbm>> -> memref<640xf32, #tpu.memory_space<hbm>>
      tpu.wait_dma2 semaphore(%run_scoped3A_33 : memref<!tpu.dma_semaphore, #tpu.memory_space<semaphore_mem>>) src(%dma_wait3A_35 : memref<640xf32, #tpu.memory_space<hbm>>) dst(%dma_wait3A : memref<640xf32, #tpu.memory_space<vmem_shared>>)
      tpu.yield
    }) : () -> ()
    %run_scoped3A = arith.constant 1 : i32
    "tpu.region"() ({
      %run_scoped3A_33 = tpu.sem_alloc : memref<!tpu.dma_semaphore, #tpu.memory_space<semaphore_mem>>
      %dma_start3A = arith.constant 0 : i32
      %dma_start3A_34 = arith.constant 0 : i32
      %dma_start3A_35 = arith.constant 0 : i32
      %dma_start3A_36 = tpu.memref_slice %arg2[%run_scoped3A, %add3A, %dma_start3A, %dma_start3A_34, %dma_start3A_35] : memref<2x32x2x40x125xi32, #tpu.memory_space<hbm>> -> memref<1x1x2x40x125xi32, #tpu.memory_space<hbm>>
      %dma_start3A_37 = tpu.memref_squeeze %dma_start3A_36 : memref<1x1x2x40x125xi32, #tpu.memory_space<hbm>> -> memref<2x40x125xi32, #tpu.memory_space<hbm>>
      %dma_start3A_38 = arith.constant 0 : i32
      %dma_start3A_39 = arith.constant 0 : i32
      %dma_start3A_40 = arith.constant 0 : i32
      %dma_start3A_41 = tpu.memref_slice %arg2[%run_scoped3A, %add3A, %dma_start3A_38, %dma_start3A_39, %dma_start3A_40] : memref<2x32x2x40x125xi32, #tpu.memory_space<hbm>> -> memref<1x1x2x40x125xi32, #tpu.memory_space<hbm>>
      %dma_start3A_42 = tpu.memref_squeeze %dma_start3A_41 : memref<1x1x2x40x125xi32, #tpu.memory_space<hbm>> -> memref<2x40x125xi32, #tpu.memory_space<hbm>>
      tpu.enqueue_dma source(%dma_start3A_42 : memref<2x40x125xi32, #tpu.memory_space<hbm>>) target(%arg6 : memref<2x40x125xi32, #tpu.memory_space<vmem>>) target_semaphore(%run_scoped3A_33 : memref<!tpu.dma_semaphore, #tpu.memory_space<semaphore_mem>>)
      %dma_wait3A = arith.constant 0 : i32
      %dma_wait3A_43 = arith.constant 0 : i32
      %dma_wait3A_44 = arith.constant 0 : i32
      %dma_wait3A_45 = tpu.memref_slice %arg2[%run_scoped3A, %add3A, %dma_wait3A, %dma_wait3A_43, %dma_wait3A_44] : memref<2x32x2x40x125xi32, #tpu.memory_space<hbm>> -> memref<1x1x2x40x125xi32, #tpu.memory_space<hbm>>
      %dma_wait3A_46 = tpu.memref_squeeze %dma_wait3A_45 : memref<1x1x2x40x125xi32, #tpu.memory_space<hbm>> -> memref<2x40x125xi32, #tpu.memory_space<hbm>>
      %dma_wait3A_47 = arith.constant 0 : i32
      %dma_wait3A_48 = arith.constant 0 : i32
      %dma_wait3A_49 = arith.constant 0 : i32
      %dma_wait3A_50 = tpu.memref_slice %arg2[%run_scoped3A, %add3A, %dma_wait3A_47, %dma_wait3A_48, %dma_wait3A_49] : memref<2x32x2x40x125xi32, #tpu.memory_space<hbm>> -> memref<1x1x2x40x125xi32, #tpu.memory_space<hbm>>
      %dma_wait3A_51 = tpu.memref_squeeze %dma_wait3A_50 : memref<1x1x2x40x125xi32, #tpu.memory_space<hbm>> -> memref<2x40x125xi32, #tpu.memory_space<hbm>>
      tpu.wait_dma2 semaphore(%run_scoped3A_33 : memref<!tpu.dma_semaphore, #tpu.memory_space<semaphore_mem>>) src(%dma_wait3A_51 : memref<2x40x125xi32, #tpu.memory_space<hbm>>) dst(%arg6 : memref<2x40x125xi32, #tpu.memory_space<vmem>>)
      tpu.yield
    }) : () -> ()
    "tpu.region"() ({
      %run_scoped3A_33 = tpu.sem_alloc : memref<!tpu.dma_semaphore, #tpu.memory_space<semaphore_mem>>
      tpu.enqueue_dma source(%arg3 : memref<125xf32, #tpu.memory_space<hbm>>) target(%arg7 : memref<125xf32, #tpu.memory_space<vmem>>) target_semaphore(%run_scoped3A_33 : memref<!tpu.dma_semaphore, #tpu.memory_space<semaphore_mem>>)
      tpu.wait_dma2 semaphore(%run_scoped3A_33 : memref<!tpu.dma_semaphore, #tpu.memory_space<semaphore_mem>>) src(%arg3 : memref<125xf32, #tpu.memory_space<hbm>>) dst(%arg7 : memref<125xf32, #tpu.memory_space<vmem>>)
      tpu.yield
    }) : () -> ()
    %barrier3A = arith.constant 0 : index
    tpu.barrier barrier_id(%barrier3A)
    %scan3A = arith.constant 0 : i32
    %scan3A_5 = arith.constant 0 : i32
    %scan3A_6 = arith.constant 40 : i32
    %scan3A_7 = arith.addi %scan3A_5, %scan3A_6 : i32
    %scan3A_8 = arith.constant 1 : i32
    scf.for %scan3A_33 = %scan3A_5 to %scan3A_7 step %scan3A_8  : i32 {
      %dma_start3A = arith.constant 0 : i32
      %dma_start3A_34 = arith.constant 0 : i32
      %dma_start3A_35 = tpu.memref_slice %arg6[%dma_start3A, %scan3A_33, %dma_start3A_34] : memref<2x40x125xi32, #tpu.memory_space<vmem>> -> memref<1x1x125xi32, #tpu.memory_space<vmem>>
      %dma_start3A_36 = tpu.memref_squeeze %dma_start3A_35 : memref<1x1x125xi32, #tpu.memory_space<vmem>> -> memref<125xi32, #tpu.memory_space<vmem>>
      %dma_start3A_37 = arith.constant 0 : i32
      %dma_start3A_38 = tpu.memref_slice %arg8[%dma_start3A_37] : memref<10240xf32, #tpu.memory_space<vmem_shared>> -> memref<10240xf32, #tpu.memory_space<vmem_shared>>
      tpu.enqueue_indirect_dma source(%arg7 : memref<125xf32, #tpu.memory_space<vmem>>) target(%dma_start3A_38 : memref<10240xf32, #tpu.memory_space<vmem_shared>>) offsets(%dma_start3A_36 : memref<125xi32, #tpu.memory_space<vmem>>) semaphore(%arg9 : memref<!tpu.dma_semaphore, #tpu.memory_space<semaphore_mem>>) {add = true}
    }
    %scan3A_9 = arith.constant 40 : i32
    %scan3A_10 = arith.constant 0 : i32
    %scan3A_11 = arith.constant 0 : i32
    %scan3A_12 = arith.constant 40 : i32
    %scan3A_13 = arith.addi %scan3A_11, %scan3A_12 : i32
    %scan3A_14 = arith.constant 1 : i32
    scf.for %scan3A_33 = %scan3A_11 to %scan3A_13 step %scan3A_14  : i32 {
      %dma_start3A = arith.constant 1 : i32
      %dma_start3A_34 = arith.constant 0 : i32
      %dma_start3A_35 = tpu.memref_slice %arg6[%dma_start3A, %scan3A_33, %dma_start3A_34] : memref<2x40x125xi32, #tpu.memory_space<vmem>> -> memref<1x1x125xi32, #tpu.memory_space<vmem>>
      %dma_start3A_36 = tpu.memref_squeeze %dma_start3A_35 : memref<1x1x125xi32, #tpu.memory_space<vmem>> -> memref<125xi32, #tpu.memory_space<vmem>>
      %dma_start3A_37 = arith.constant 0 : i32
      %dma_start3A_38 = tpu.memref_slice %arg8[%dma_start3A_37] : memref<10240xf32, #tpu.memory_space<vmem_shared>> -> memref<10240xf32, #tpu.memory_space<vmem_shared>>
      tpu.enqueue_indirect_dma source(%arg7 : memref<125xf32, #tpu.memory_space<vmem>>) target(%dma_start3A_38 : memref<10240xf32, #tpu.memory_space<vmem_shared>>) offsets(%dma_start3A_36 : memref<125xi32, #tpu.memory_space<vmem>>) semaphore(%arg9 : memref<!tpu.dma_semaphore, #tpu.memory_space<semaphore_mem>>) {add = true}
    }
    %scan3A_15 = arith.constant 40 : i32
    %scan3A_16 = arith.constant 0 : i32
    %scan3A_17 = arith.constant 0 : i32
    %scan3A_18 = arith.constant 40 : i32
    %scan3A_19 = arith.addi %scan3A_17, %scan3A_18 : i32
    %scan3A_20 = arith.constant 1 : i32
    scf.for %scan3A_33 = %scan3A_17 to %scan3A_19 step %scan3A_20  : i32 {
      %dma_wait3A = arith.constant 0 : i32
      %dma_wait3A_34 = arith.constant 0 : i32
      %dma_wait3A_35 = tpu.memref_slice %arg6[%dma_wait3A, %scan3A_33, %dma_wait3A_34] : memref<2x40x125xi32, #tpu.memory_space<vmem>> -> memref<1x1x125xi32, #tpu.memory_space<vmem>>
      %dma_wait3A_36 = tpu.memref_squeeze %dma_wait3A_35 : memref<1x1x125xi32, #tpu.memory_space<vmem>> -> memref<125xi32, #tpu.memory_space<vmem>>
      %dma_wait3A_37 = arith.constant 0 : i32
      %dma_wait3A_38 = tpu.memref_slice %arg8[%dma_wait3A_37] : memref<10240xf32, #tpu.memory_space<vmem_shared>> -> memref<10240xf32, #tpu.memory_space<vmem_shared>>
      tpu.wait_indirect_dma semaphore(%arg9 : memref<!tpu.dma_semaphore, #tpu.memory_space<semaphore_mem>>) src(%arg7 : memref<125xf32, #tpu.memory_space<vmem>>) dst(%dma_wait3A_38 : memref<10240xf32, #tpu.memory_space<vmem_shared>>)
    }
    %scan3A_21 = arith.constant 40 : i32
    %scan3A_22 = arith.constant 0 : i32
    %scan3A_23 = arith.constant 0 : i32
    %scan3A_24 = arith.constant 40 : i32
    %scan3A_25 = arith.addi %scan3A_23, %scan3A_24 : i32
    %scan3A_26 = arith.constant 1 : i32
    scf.for %scan3A_33 = %scan3A_23 to %scan3A_25 step %scan3A_26  : i32 {
      %dma_wait3A = arith.constant 1 : i32
      %dma_wait3A_34 = arith.constant 0 : i32
      %dma_wait3A_35 = tpu.memref_slice %arg6[%dma_wait3A, %scan3A_33, %dma_wait3A_34] : memref<2x40x125xi32, #tpu.memory_space<vmem>> -> memref<1x1x125xi32, #tpu.memory_space<vmem>>
      %dma_wait3A_36 = tpu.memref_squeeze %dma_wait3A_35 : memref<1x1x125xi32, #tpu.memory_space<vmem>> -> memref<125xi32, #tpu.memory_space<vmem>>
      %dma_wait3A_37 = arith.constant 0 : i32
      %dma_wait3A_38 = tpu.memref_slice %arg8[%dma_wait3A_37] : memref<10240xf32, #tpu.memory_space<vmem_shared>> -> memref<10240xf32, #tpu.memory_space<vmem_shared>>
      tpu.wait_indirect_dma semaphore(%arg9 : memref<!tpu.dma_semaphore, #tpu.memory_space<semaphore_mem>>) src(%arg7 : memref<125xf32, #tpu.memory_space<vmem>>) dst(%dma_wait3A_38 : memref<10240xf32, #tpu.memory_space<vmem_shared>>)
    }
    %scan3A_27 = arith.constant 40 : i32
    %barrier3A_28 = arith.constant 0 : index
    tpu.barrier barrier_id(%barrier3A_28)
    %mul3A_29 = arith.constant 640 : i32
    %mul3A_30 = arith.muli %arg1, %mul3A_29 : i32
    %mul3A_31 = arith.constant 640 : i32
    %mul3A_32 = arith.muli %arg1, %mul3A_31 : i32
    "tpu.region"() ({
      %run_scoped3A_33 = tpu.sem_alloc : memref<!tpu.dma_semaphore, #tpu.memory_space<semaphore_mem>>
      %dma_start3A = tpu.memref_slice %arg5[%arg0, %mul3A_32] : memref<2x10240xf32, #tpu.memory_space<hbm>> -> memref<1x640xf32, #tpu.memory_space<hbm>>
      %dma_start3A_34 = tpu.memref_squeeze %dma_start3A : memref<1x640xf32, #tpu.memory_space<hbm>> -> memref<640xf32, #tpu.memory_space<hbm>>
      %dma_start3A_35 = tpu.memref_slice %arg8[%mul3A_30] : memref<10240xf32, #tpu.memory_space<vmem_shared>> -> memref<640xf32, #tpu.memory_space<vmem_shared>>
      tpu.enqueue_dma source(%dma_start3A_35 : memref<640xf32, #tpu.memory_space<vmem_shared>>) target(%dma_start3A_34 : memref<640xf32, #tpu.memory_space<hbm>>) target_semaphore(%run_scoped3A_33 : memref<!tpu.dma_semaphore, #tpu.memory_space<semaphore_mem>>)
      %dma_wait3A = tpu.memref_slice %arg5[%arg0, %mul3A_32] : memref<2x10240xf32, #tpu.memory_space<hbm>> -> memref<1x640xf32, #tpu.memory_space<hbm>>
      %dma_wait3A_36 = tpu.memref_squeeze %dma_wait3A : memref<1x640xf32, #tpu.memory_space<hbm>> -> memref<640xf32, #tpu.memory_space<hbm>>
      %dma_wait3A_37 = tpu.memref_slice %arg8[%mul3A_30] : memref<10240xf32, #tpu.memory_space<vmem_shared>> -> memref<640xf32, #tpu.memory_space<vmem_shared>>
      tpu.wait_dma2 semaphore(%run_scoped3A_33 : memref<!tpu.dma_semaphore, #tpu.memory_space<semaphore_mem>>) src(%dma_wait3A_37 : memref<640xf32, #tpu.memory_space<vmem_shared>>) dst(%dma_wait3A_36 : memref<640xf32, #tpu.memory_space<hbm>>)
      tpu.yield
    }) : () -> ()
    return
  }
}

#map = affine_map<(d0, d1) -> (0, 0)>
#map1 = affine_map<(d0, d1) -> (0, 0, 0, 0, 0)>
#map2 = affine_map<(d0, d1) -> (0, 0, 0)>
module attributes {stable_mosaic.version = 14 : i64} {
  func.func @_edge_scatter_kernel(%arg0: i32, %arg1: i32, %arg2: memref<10240x128xf32, #tpu.memory_space<hbm>>, %arg3: memref<2x32x2x40x125xi32, #tpu.memory_space<hbm>>, %arg4: memref<10240x128xf32, #tpu.memory_space<hbm>>, %arg5: memref<2x10240x128xf32, #tpu.memory_space<hbm>>, %arg6: memref<40x125xi32, #tpu.memory_space<vmem>>, %arg7: memref<40x125xi32, #tpu.memory_space<vmem>>, %arg8: memref<125x128xf32, #tpu.memory_space<vmem>>, %arg9: memref<125x128xf32, #tpu.memory_space<vmem>>, %arg10: memref<10240x128xf32, #tpu.memory_space<vmem_shared>>, %arg11: memref<!tpu.dma_semaphore, #tpu.memory_space<semaphore_mem>>, %arg12: memref<!tpu.dma_semaphore, #tpu.memory_space<semaphore_mem>>) attributes {dimension_semantics = [#tpu.dimension_semantics<core_parallel>, #tpu.dimension_semantics<subcore_parallel>], iteration_bounds = array<i64: 2, 16>, scalar_prefetch = 0 : i64, scratch_operands = 7 : i64, tpu.core_type = #tpu.core_type<sc_vector_subcore>, window_params = [{transform_indices = #map}, {transform_indices = #map1}, {transform_indices = #map}, {transform_indices = #map2}]} {
    %mul3A = arith.constant 2 : i32
    %mul3A_0 = arith.muli %arg1, %mul3A : i32
    %add3A = arith.addi %mul3A_0, %arg0 : i32
    %run_scoped3A = arith.constant 0 : i32
    %run_scoped3A_1 = arith.constant 0 : i32
    "tpu.region"() ({
      %run_scoped3A_82 = tpu.sem_alloc : memref<!tpu.dma_semaphore, #tpu.memory_space<semaphore_mem>>
      %dma_start3A_83 = arith.constant 0 : i32
      %dma_start3A_84 = arith.constant 0 : i32
      %dma_start3A_85 = tpu.memref_slice %arg3[%run_scoped3A, %add3A, %run_scoped3A_1, %dma_start3A_83, %dma_start3A_84] : memref<2x32x2x40x125xi32, #tpu.memory_space<hbm>> -> memref<1x1x1x40x125xi32, #tpu.memory_space<hbm>>
      %dma_start3A_86 = tpu.memref_squeeze %dma_start3A_85 : memref<1x1x1x40x125xi32, #tpu.memory_space<hbm>> -> memref<40x125xi32, #tpu.memory_space<hbm>>
      %dma_start3A_87 = arith.constant 0 : i32
      %dma_start3A_88 = arith.constant 0 : i32
      %dma_start3A_89 = tpu.memref_slice %arg3[%run_scoped3A, %add3A, %run_scoped3A_1, %dma_start3A_87, %dma_start3A_88] : memref<2x32x2x40x125xi32, #tpu.memory_space<hbm>> -> memref<1x1x1x40x125xi32, #tpu.memory_space<hbm>>
      %dma_start3A_90 = tpu.memref_squeeze %dma_start3A_89 : memref<1x1x1x40x125xi32, #tpu.memory_space<hbm>> -> memref<40x125xi32, #tpu.memory_space<hbm>>
      tpu.enqueue_dma source(%dma_start3A_90 : memref<40x125xi32, #tpu.memory_space<hbm>>) target(%arg6 : memref<40x125xi32, #tpu.memory_space<vmem>>) target_semaphore(%run_scoped3A_82 : memref<!tpu.dma_semaphore, #tpu.memory_space<semaphore_mem>>)
      %dma_wait3A_91 = arith.constant 0 : i32
      %dma_wait3A_92 = arith.constant 0 : i32
      %dma_wait3A_93 = tpu.memref_slice %arg3[%run_scoped3A, %add3A, %run_scoped3A_1, %dma_wait3A_91, %dma_wait3A_92] : memref<2x32x2x40x125xi32, #tpu.memory_space<hbm>> -> memref<1x1x1x40x125xi32, #tpu.memory_space<hbm>>
      %dma_wait3A_94 = tpu.memref_squeeze %dma_wait3A_93 : memref<1x1x1x40x125xi32, #tpu.memory_space<hbm>> -> memref<40x125xi32, #tpu.memory_space<hbm>>
      %dma_wait3A_95 = arith.constant 0 : i32
      %dma_wait3A_96 = arith.constant 0 : i32
      %dma_wait3A_97 = tpu.memref_slice %arg3[%run_scoped3A, %add3A, %run_scoped3A_1, %dma_wait3A_95, %dma_wait3A_96] : memref<2x32x2x40x125xi32, #tpu.memory_space<hbm>> -> memref<1x1x1x40x125xi32, #tpu.memory_space<hbm>>
      %dma_wait3A_98 = tpu.memref_squeeze %dma_wait3A_97 : memref<1x1x1x40x125xi32, #tpu.memory_space<hbm>> -> memref<40x125xi32, #tpu.memory_space<hbm>>
      tpu.wait_dma2 semaphore(%run_scoped3A_82 : memref<!tpu.dma_semaphore, #tpu.memory_space<semaphore_mem>>) src(%dma_wait3A_98 : memref<40x125xi32, #tpu.memory_space<hbm>>) dst(%arg6 : memref<40x125xi32, #tpu.memory_space<vmem>>)
      tpu.yield
    }) : () -> ()
    %run_scoped3A_2 = arith.constant 1 : i32
    %run_scoped3A_3 = arith.constant 0 : i32
    "tpu.region"() ({
      %run_scoped3A_82 = tpu.sem_alloc : memref<!tpu.dma_semaphore, #tpu.memory_space<semaphore_mem>>
      %dma_start3A_83 = arith.constant 0 : i32
      %dma_start3A_84 = arith.constant 0 : i32
      %dma_start3A_85 = tpu.memref_slice %arg3[%run_scoped3A_2, %add3A, %run_scoped3A_3, %dma_start3A_83, %dma_start3A_84] : memref<2x32x2x40x125xi32, #tpu.memory_space<hbm>> -> memref<1x1x1x40x125xi32, #tpu.memory_space<hbm>>
      %dma_start3A_86 = tpu.memref_squeeze %dma_start3A_85 : memref<1x1x1x40x125xi32, #tpu.memory_space<hbm>> -> memref<40x125xi32, #tpu.memory_space<hbm>>
      %dma_start3A_87 = arith.constant 0 : i32
      %dma_start3A_88 = arith.constant 0 : i32
      %dma_start3A_89 = tpu.memref_slice %arg3[%run_scoped3A_2, %add3A, %run_scoped3A_3, %dma_start3A_87, %dma_start3A_88] : memref<2x32x2x40x125xi32, #tpu.memory_space<hbm>> -> memref<1x1x1x40x125xi32, #tpu.memory_space<hbm>>
      %dma_start3A_90 = tpu.memref_squeeze %dma_start3A_89 : memref<1x1x1x40x125xi32, #tpu.memory_space<hbm>> -> memref<40x125xi32, #tpu.memory_space<hbm>>
      tpu.enqueue_dma source(%dma_start3A_90 : memref<40x125xi32, #tpu.memory_space<hbm>>) target(%arg7 : memref<40x125xi32, #tpu.memory_space<vmem>>) target_semaphore(%run_scoped3A_82 : memref<!tpu.dma_semaphore, #tpu.memory_space<semaphore_mem>>)
      %dma_wait3A_91 = arith.constant 0 : i32
      %dma_wait3A_92 = arith.constant 0 : i32
      %dma_wait3A_93 = tpu.memref_slice %arg3[%run_scoped3A_2, %add3A, %run_scoped3A_3, %dma_wait3A_91, %dma_wait3A_92] : memref<2x32x2x40x125xi32, #tpu.memory_space<hbm>> -> memref<1x1x1x40x125xi32, #tpu.memory_space<hbm>>
      %dma_wait3A_94 = tpu.memref_squeeze %dma_wait3A_93 : memref<1x1x1x40x125xi32, #tpu.memory_space<hbm>> -> memref<40x125xi32, #tpu.memory_space<hbm>>
      %dma_wait3A_95 = arith.constant 0 : i32
      %dma_wait3A_96 = arith.constant 0 : i32
      %dma_wait3A_97 = tpu.memref_slice %arg3[%run_scoped3A_2, %add3A, %run_scoped3A_3, %dma_wait3A_95, %dma_wait3A_96] : memref<2x32x2x40x125xi32, #tpu.memory_space<hbm>> -> memref<1x1x1x40x125xi32, #tpu.memory_space<hbm>>
      %dma_wait3A_98 = tpu.memref_squeeze %dma_wait3A_97 : memref<1x1x1x40x125xi32, #tpu.memory_space<hbm>> -> memref<40x125xi32, #tpu.memory_space<hbm>>
      tpu.wait_dma2 semaphore(%run_scoped3A_82 : memref<!tpu.dma_semaphore, #tpu.memory_space<semaphore_mem>>) src(%dma_wait3A_98 : memref<40x125xi32, #tpu.memory_space<hbm>>) dst(%arg7 : memref<40x125xi32, #tpu.memory_space<vmem>>)
      tpu.yield
    }) : () -> ()
    %dma_start3A = arith.constant 0 : i32
    %dma_start3A_4 = arith.constant 0 : i32
    %dma_start3A_5 = tpu.memref_slice %arg6[%dma_start3A, %dma_start3A_4] : memref<40x125xi32, #tpu.memory_space<vmem>> -> memref<1x125xi32, #tpu.memory_space<vmem>>
    %dma_start3A_6 = tpu.memref_squeeze %dma_start3A_5 : memref<1x125xi32, #tpu.memory_space<vmem>> -> memref<125xi32, #tpu.memory_space<vmem>>
    %dma_start3A_7 = arith.constant 0 : i32
    %dma_start3A_8 = arith.constant 0 : i32
    %dma_start3A_9 = tpu.memref_slice %arg2[%dma_start3A_7, %dma_start3A_8] : memref<10240x128xf32, #tpu.memory_space<hbm>> -> memref<10240x128xf32, #tpu.memory_space<hbm>>
    tpu.enqueue_indirect_dma source(%dma_start3A_9 : memref<10240x128xf32, #tpu.memory_space<hbm>>) target(%arg8 : memref<125x128xf32, #tpu.memory_space<vmem>>) offsets(%dma_start3A_6 : memref<125xi32, #tpu.memory_space<vmem>>) semaphore(%arg11 : memref<!tpu.dma_semaphore, #tpu.memory_space<semaphore_mem>>)
    %dma_start3A_10 = arith.constant 1 : i32
    %dma_start3A_11 = arith.constant 0 : i32
    %dma_start3A_12 = tpu.memref_slice %arg6[%dma_start3A_10, %dma_start3A_11] : memref<40x125xi32, #tpu.memory_space<vmem>> -> memref<1x125xi32, #tpu.memory_space<vmem>>
    %dma_start3A_13 = tpu.memref_squeeze %dma_start3A_12 : memref<1x125xi32, #tpu.memory_space<vmem>> -> memref<125xi32, #tpu.memory_space<vmem>>
    %dma_start3A_14 = arith.constant 0 : i32
    %dma_start3A_15 = arith.constant 0 : i32
    %dma_start3A_16 = tpu.memref_slice %arg2[%dma_start3A_14, %dma_start3A_15] : memref<10240x128xf32, #tpu.memory_space<hbm>> -> memref<10240x128xf32, #tpu.memory_space<hbm>>
    tpu.enqueue_indirect_dma source(%dma_start3A_16 : memref<10240x128xf32, #tpu.memory_space<hbm>>) target(%arg9 : memref<125x128xf32, #tpu.memory_space<vmem>>) offsets(%dma_start3A_13 : memref<125xi32, #tpu.memory_space<vmem>>) semaphore(%arg12 : memref<!tpu.dma_semaphore, #tpu.memory_space<semaphore_mem>>)
    %mul3A_17 = arith.constant 640 : i32
    %mul3A_18 = arith.muli %arg1, %mul3A_17 : i32
    %mul3A_19 = arith.constant 640 : i32
    %mul3A_20 = arith.muli %arg1, %mul3A_19 : i32
    "tpu.region"() ({
      %run_scoped3A_82 = tpu.sem_alloc : memref<!tpu.dma_semaphore, #tpu.memory_space<semaphore_mem>>
      %dma_start3A_83 = arith.constant 0 : i32
      %dma_start3A_84 = tpu.memref_slice %arg10[%mul3A_20, %dma_start3A_83] : memref<10240x128xf32, #tpu.memory_space<vmem_shared>> -> memref<640x128xf32, #tpu.memory_space<vmem_shared>>
      %dma_start3A_85 = arith.constant 0 : i32
      %dma_start3A_86 = tpu.memref_slice %arg4[%mul3A_18, %dma_start3A_85] : memref<10240x128xf32, #tpu.memory_space<hbm>> -> memref<640x128xf32, #tpu.memory_space<hbm>>
      tpu.enqueue_dma source(%dma_start3A_86 : memref<640x128xf32, #tpu.memory_space<hbm>>) target(%dma_start3A_84 : memref<640x128xf32, #tpu.memory_space<vmem_shared>>) target_semaphore(%run_scoped3A_82 : memref<!tpu.dma_semaphore, #tpu.memory_space<semaphore_mem>>)
      %dma_wait3A_87 = arith.constant 0 : i32
      %dma_wait3A_88 = tpu.memref_slice %arg10[%mul3A_20, %dma_wait3A_87] : memref<10240x128xf32, #tpu.memory_space<vmem_shared>> -> memref<640x128xf32, #tpu.memory_space<vmem_shared>>
      %dma_wait3A_89 = arith.constant 0 : i32
      %dma_wait3A_90 = tpu.memref_slice %arg4[%mul3A_18, %dma_wait3A_89] : memref<10240x128xf32, #tpu.memory_space<hbm>> -> memref<640x128xf32, #tpu.memory_space<hbm>>
      tpu.wait_dma2 semaphore(%run_scoped3A_82 : memref<!tpu.dma_semaphore, #tpu.memory_space<semaphore_mem>>) src(%dma_wait3A_90 : memref<640x128xf32, #tpu.memory_space<hbm>>) dst(%dma_wait3A_88 : memref<640x128xf32, #tpu.memory_space<vmem_shared>>)
      tpu.yield
    }) : () -> ()
    %barrier3A = arith.constant 0 : index
    tpu.barrier barrier_id(%barrier3A)
    %scan3A = arith.constant 0 : i32
    %scan3A_21 = arith.constant 0 : i32
    %scan3A_22 = arith.constant 20 : i32
    %scan3A_23 = arith.addi %scan3A_21, %scan3A_22 : i32
    %scan3A_24 = arith.constant 1 : i32
    scf.for %scan3A_82 = %scan3A_21 to %scan3A_23 step %scan3A_24  : i32 {
      %mul3A_83 = arith.constant 2 : i32
      %mul3A_84 = arith.muli %mul3A_83, %scan3A_82 : i32
      %add3A_85 = arith.constant 1 : i32
      %add3A_86 = arith.addi %mul3A_84, %add3A_85 : i32
      %dma_wait3A_87 = arith.constant 0 : i32
      %dma_wait3A_88 = tpu.memref_slice %arg6[%mul3A_84, %dma_wait3A_87] : memref<40x125xi32, #tpu.memory_space<vmem>> -> memref<1x125xi32, #tpu.memory_space<vmem>>
      %dma_wait3A_89 = tpu.memref_squeeze %dma_wait3A_88 : memref<1x125xi32, #tpu.memory_space<vmem>> -> memref<125xi32, #tpu.memory_space<vmem>>
      %dma_wait3A_90 = arith.constant 0 : i32
      %dma_wait3A_91 = arith.constant 0 : i32
      %dma_wait3A_92 = tpu.memref_slice %arg2[%dma_wait3A_90, %dma_wait3A_91] : memref<10240x128xf32, #tpu.memory_space<hbm>> -> memref<10240x128xf32, #tpu.memory_space<hbm>>
      tpu.wait_indirect_dma semaphore(%arg11 : memref<!tpu.dma_semaphore, #tpu.memory_space<semaphore_mem>>) src(%dma_wait3A_92 : memref<10240x128xf32, #tpu.memory_space<hbm>>) dst(%arg8 : memref<125x128xf32, #tpu.memory_space<vmem>>)
      "tpu.region"() ({
        %run_scoped3A_118 = tpu.sem_alloc : memref<!tpu.dma_semaphore, #tpu.memory_space<semaphore_mem>>
        %dma_start3A_119 = arith.constant 0 : i32
        %dma_start3A_120 = tpu.memref_slice %arg7[%mul3A_84, %dma_start3A_119] : memref<40x125xi32, #tpu.memory_space<vmem>> -> memref<1x125xi32, #tpu.memory_space<vmem>>
        %dma_start3A_121 = tpu.memref_squeeze %dma_start3A_120 : memref<1x125xi32, #tpu.memory_space<vmem>> -> memref<125xi32, #tpu.memory_space<vmem>>
        %dma_start3A_122 = arith.constant 0 : i32
        %dma_start3A_123 = arith.constant 0 : i32
        %dma_start3A_124 = tpu.memref_slice %arg10[%dma_start3A_122, %dma_start3A_123] : memref<10240x128xf32, #tpu.memory_space<vmem_shared>> -> memref<10240x128xf32, #tpu.memory_space<vmem_shared>>
        tpu.enqueue_indirect_dma source(%arg8 : memref<125x128xf32, #tpu.memory_space<vmem>>) target(%dma_start3A_124 : memref<10240x128xf32, #tpu.memory_space<vmem_shared>>) offsets(%dma_start3A_121 : memref<125xi32, #tpu.memory_space<vmem>>) semaphore(%run_scoped3A_118 : memref<!tpu.dma_semaphore, #tpu.memory_space<semaphore_mem>>) {add = true}
        %dma_wait3A_125 = arith.constant 0 : i32
        %dma_wait3A_126 = tpu.memref_slice %arg7[%mul3A_84, %dma_wait3A_125] : memref<40x125xi32, #tpu.memory_space<vmem>> -> memref<1x125xi32, #tpu.memory_space<vmem>>
        %dma_wait3A_127 = tpu.memref_squeeze %dma_wait3A_126 : memref<1x125xi32, #tpu.memory_space<vmem>> -> memref<125xi32, #tpu.memory_space<vmem>>
        %dma_wait3A_128 = arith.constant 0 : i32
        %dma_wait3A_129 = arith.constant 0 : i32
        %dma_wait3A_130 = tpu.memref_slice %arg10[%dma_wait3A_128, %dma_wait3A_129] : memref<10240x128xf32, #tpu.memory_space<vmem_shared>> -> memref<10240x128xf32, #tpu.memory_space<vmem_shared>>
        tpu.wait_indirect_dma semaphore(%run_scoped3A_118 : memref<!tpu.dma_semaphore, #tpu.memory_space<semaphore_mem>>) src(%arg8 : memref<125x128xf32, #tpu.memory_space<vmem>>) dst(%dma_wait3A_130 : memref<10240x128xf32, #tpu.memory_space<vmem_shared>>)
        tpu.yield
      }) : () -> ()
      %add3A_93 = arith.constant 2 : i32
      %add3A_94 = arith.addi %mul3A_84, %add3A_93 : i32
      %min3A = arith.constant 39 : i32
      %min3A_95 = arith.minsi %add3A_94, %min3A : i32
      %dma_start3A_96 = arith.constant 0 : i32
      %dma_start3A_97 = tpu.memref_slice %arg6[%min3A_95, %dma_start3A_96] : memref<40x125xi32, #tpu.memory_space<vmem>> -> memref<1x125xi32, #tpu.memory_space<vmem>>
      %dma_start3A_98 = tpu.memref_squeeze %dma_start3A_97 : memref<1x125xi32, #tpu.memory_space<vmem>> -> memref<125xi32, #tpu.memory_space<vmem>>
      %dma_start3A_99 = arith.constant 0 : i32
      %dma_start3A_100 = arith.constant 0 : i32
      %dma_start3A_101 = tpu.memref_slice %arg2[%dma_start3A_99, %dma_start3A_100] : memref<10240x128xf32, #tpu.memory_space<hbm>> -> memref<10240x128xf32, #tpu.memory_space<hbm>>
      tpu.enqueue_indirect_dma source(%dma_start3A_101 : memref<10240x128xf32, #tpu.memory_space<hbm>>) target(%arg8 : memref<125x128xf32, #tpu.memory_space<vmem>>) offsets(%dma_start3A_98 : memref<125xi32, #tpu.memory_space<vmem>>) semaphore(%arg11 : memref<!tpu.dma_semaphore, #tpu.memory_space<semaphore_mem>>)
      %dma_wait3A_102 = arith.constant 0 : i32
      %dma_wait3A_103 = tpu.memref_slice %arg6[%add3A_86, %dma_wait3A_102] : memref<40x125xi32, #tpu.memory_space<vmem>> -> memref<1x125xi32, #tpu.memory_space<vmem>>
      %dma_wait3A_104 = tpu.memref_squeeze %dma_wait3A_103 : memref<1x125xi32, #tpu.memory_space<vmem>> -> memref<125xi32, #tpu.memory_space<vmem>>
      %dma_wait3A_105 = arith.constant 0 : i32
      %dma_wait3A_106 = arith.constant 0 : i32
      %dma_wait3A_107 = tpu.memref_slice %arg2[%dma_wait3A_105, %dma_wait3A_106] : memref<10240x128xf32, #tpu.memory_space<hbm>> -> memref<10240x128xf32, #tpu.memory_space<hbm>>
      tpu.wait_indirect_dma semaphore(%arg12 : memref<!tpu.dma_semaphore, #tpu.memory_space<semaphore_mem>>) src(%dma_wait3A_107 : memref<10240x128xf32, #tpu.memory_space<hbm>>) dst(%arg9 : memref<125x128xf32, #tpu.memory_space<vmem>>)
      "tpu.region"() ({
        %run_scoped3A_118 = tpu.sem_alloc : memref<!tpu.dma_semaphore, #tpu.memory_space<semaphore_mem>>
        %dma_start3A_119 = arith.constant 0 : i32
        %dma_start3A_120 = tpu.memref_slice %arg7[%add3A_86, %dma_start3A_119] : memref<40x125xi32, #tpu.memory_space<vmem>> -> memref<1x125xi32, #tpu.memory_space<vmem>>
        %dma_start3A_121 = tpu.memref_squeeze %dma_start3A_120 : memref<1x125xi32, #tpu.memory_space<vmem>> -> memref<125xi32, #tpu.memory_space<vmem>>
        %dma_start3A_122 = arith.constant 0 : i32
        %dma_start3A_123 = arith.constant 0 : i32
        %dma_start3A_124 = tpu.memref_slice %arg10[%dma_start3A_122, %dma_start3A_123] : memref<10240x128xf32, #tpu.memory_space<vmem_shared>> -> memref<10240x128xf32, #tpu.memory_space<vmem_shared>>
        tpu.enqueue_indirect_dma source(%arg9 : memref<125x128xf32, #tpu.memory_space<vmem>>) target(%dma_start3A_124 : memref<10240x128xf32, #tpu.memory_space<vmem_shared>>) offsets(%dma_start3A_121 : memref<125xi32, #tpu.memory_space<vmem>>) semaphore(%run_scoped3A_118 : memref<!tpu.dma_semaphore, #tpu.memory_space<semaphore_mem>>) {add = true}
        %dma_wait3A_125 = arith.constant 0 : i32
        %dma_wait3A_126 = tpu.memref_slice %arg7[%add3A_86, %dma_wait3A_125] : memref<40x125xi32, #tpu.memory_space<vmem>> -> memref<1x125xi32, #tpu.memory_space<vmem>>
        %dma_wait3A_127 = tpu.memref_squeeze %dma_wait3A_126 : memref<1x125xi32, #tpu.memory_space<vmem>> -> memref<125xi32, #tpu.memory_space<vmem>>
        %dma_wait3A_128 = arith.constant 0 : i32
        %dma_wait3A_129 = arith.constant 0 : i32
        %dma_wait3A_130 = tpu.memref_slice %arg10[%dma_wait3A_128, %dma_wait3A_129] : memref<10240x128xf32, #tpu.memory_space<vmem_shared>> -> memref<10240x128xf32, #tpu.memory_space<vmem_shared>>
        tpu.wait_indirect_dma semaphore(%run_scoped3A_118 : memref<!tpu.dma_semaphore, #tpu.memory_space<semaphore_mem>>) src(%arg9 : memref<125x128xf32, #tpu.memory_space<vmem>>) dst(%dma_wait3A_130 : memref<10240x128xf32, #tpu.memory_space<vmem_shared>>)
        tpu.yield
      }) : () -> ()
      %add3A_108 = arith.constant 2 : i32
      %add3A_109 = arith.addi %add3A_86, %add3A_108 : i32
      %min3A_110 = arith.constant 39 : i32
      %min3A_111 = arith.minsi %add3A_109, %min3A_110 : i32
      %dma_start3A_112 = arith.constant 0 : i32
      %dma_start3A_113 = tpu.memref_slice %arg6[%min3A_111, %dma_start3A_112] : memref<40x125xi32, #tpu.memory_space<vmem>> -> memref<1x125xi32, #tpu.memory_space<vmem>>
      %dma_start3A_114 = tpu.memref_squeeze %dma_start3A_113 : memref<1x125xi32, #tpu.memory_space<vmem>> -> memref<125xi32, #tpu.memory_space<vmem>>
      %dma_start3A_115 = arith.constant 0 : i32
      %dma_start3A_116 = arith.constant 0 : i32
      %dma_start3A_117 = tpu.memref_slice %arg2[%dma_start3A_115, %dma_start3A_116] : memref<10240x128xf32, #tpu.memory_space<hbm>> -> memref<10240x128xf32, #tpu.memory_space<hbm>>
      tpu.enqueue_indirect_dma source(%dma_start3A_117 : memref<10240x128xf32, #tpu.memory_space<hbm>>) target(%arg9 : memref<125x128xf32, #tpu.memory_space<vmem>>) offsets(%dma_start3A_114 : memref<125xi32, #tpu.memory_space<vmem>>) semaphore(%arg12 : memref<!tpu.dma_semaphore, #tpu.memory_space<semaphore_mem>>)
    }
    %scan3A_25 = arith.constant 20 : i32
    %dma_wait3A = arith.constant 0 : i32
    %dma_wait3A_26 = arith.constant 0 : i32
    %dma_wait3A_27 = tpu.memref_slice %arg6[%dma_wait3A, %dma_wait3A_26] : memref<40x125xi32, #tpu.memory_space<vmem>> -> memref<1x125xi32, #tpu.memory_space<vmem>>
    %dma_wait3A_28 = tpu.memref_squeeze %dma_wait3A_27 : memref<1x125xi32, #tpu.memory_space<vmem>> -> memref<125xi32, #tpu.memory_space<vmem>>
    %dma_wait3A_29 = arith.constant 0 : i32
    %dma_wait3A_30 = arith.constant 0 : i32
    %dma_wait3A_31 = tpu.memref_slice %arg2[%dma_wait3A_29, %dma_wait3A_30] : memref<10240x128xf32, #tpu.memory_space<hbm>> -> memref<10240x128xf32, #tpu.memory_space<hbm>>
    tpu.wait_indirect_dma semaphore(%arg11 : memref<!tpu.dma_semaphore, #tpu.memory_space<semaphore_mem>>) src(%dma_wait3A_31 : memref<10240x128xf32, #tpu.memory_space<hbm>>) dst(%arg8 : memref<125x128xf32, #tpu.memory_space<vmem>>)
    %dma_wait3A_32 = arith.constant 0 : i32
    %dma_wait3A_33 = arith.constant 0 : i32
    %dma_wait3A_34 = tpu.memref_slice %arg6[%dma_wait3A_32, %dma_wait3A_33] : memref<40x125xi32, #tpu.memory_space<vmem>> -> memref<1x125xi32, #tpu.memory_space<vmem>>
    %dma_wait3A_35 = tpu.memref_squeeze %dma_wait3A_34 : memref<1x125xi32, #tpu.memory_space<vmem>> -> memref<125xi32, #tpu.memory_space<vmem>>
    %dma_wait3A_36 = arith.constant 0 : i32
    %dma_wait3A_37 = arith.constant 0 : i32
    %dma_wait3A_38 = tpu.memref_slice %arg2[%dma_wait3A_36, %dma_wait3A_37] : memref<10240x128xf32, #tpu.memory_space<hbm>> -> memref<10240x128xf32, #tpu.memory_space<hbm>>
    tpu.wait_indirect_dma semaphore(%arg12 : memref<!tpu.dma_semaphore, #tpu.memory_space<semaphore_mem>>) src(%dma_wait3A_38 : memref<10240x128xf32, #tpu.memory_space<hbm>>) dst(%arg9 : memref<125x128xf32, #tpu.memory_space<vmem>>)
    %run_scoped3A_39 = arith.constant 0 : i32
    %run_scoped3A_40 = arith.constant 1 : i32
    "tpu.region"() ({
      %run_scoped3A_82 = tpu.sem_alloc : memref<!tpu.dma_semaphore, #tpu.memory_space<semaphore_mem>>
      %dma_start3A_83 = arith.constant 0 : i32
      %dma_start3A_84 = arith.constant 0 : i32
      %dma_start3A_85 = tpu.memref_slice %arg3[%run_scoped3A_39, %add3A, %run_scoped3A_40, %dma_start3A_83, %dma_start3A_84] : memref<2x32x2x40x125xi32, #tpu.memory_space<hbm>> -> memref<1x1x1x40x125xi32, #tpu.memory_space<hbm>>
      %dma_start3A_86 = tpu.memref_squeeze %dma_start3A_85 : memref<1x1x1x40x125xi32, #tpu.memory_space<hbm>> -> memref<40x125xi32, #tpu.memory_space<hbm>>
      %dma_start3A_87 = arith.constant 0 : i32
      %dma_start3A_88 = arith.constant 0 : i32
      %dma_start3A_89 = tpu.memref_slice %arg3[%run_scoped3A_39, %add3A, %run_scoped3A_40, %dma_start3A_87, %dma_start3A_88] : memref<2x32x2x40x125xi32, #tpu.memory_space<hbm>> -> memref<1x1x1x40x125xi32, #tpu.memory_space<hbm>>
      %dma_start3A_90 = tpu.memref_squeeze %dma_start3A_89 : memref<1x1x1x40x125xi32, #tpu.memory_space<hbm>> -> memref<40x125xi32, #tpu.memory_space<hbm>>
      tpu.enqueue_dma source(%dma_start3A_90 : memref<40x125xi32, #tpu.memory_space<hbm>>) target(%arg6 : memref<40x125xi32, #tpu.memory_space<vmem>>) target_semaphore(%run_scoped3A_82 : memref<!tpu.dma_semaphore, #tpu.memory_space<semaphore_mem>>)
      %dma_wait3A_91 = arith.constant 0 : i32
      %dma_wait3A_92 = arith.constant 0 : i32
      %dma_wait3A_93 = tpu.memref_slice %arg3[%run_scoped3A_39, %add3A, %run_scoped3A_40, %dma_wait3A_91, %dma_wait3A_92] : memref<2x32x2x40x125xi32, #tpu.memory_space<hbm>> -> memref<1x1x1x40x125xi32, #tpu.memory_space<hbm>>
      %dma_wait3A_94 = tpu.memref_squeeze %dma_wait3A_93 : memref<1x1x1x40x125xi32, #tpu.memory_space<hbm>> -> memref<40x125xi32, #tpu.memory_space<hbm>>
      %dma_wait3A_95 = arith.constant 0 : i32
      %dma_wait3A_96 = arith.constant 0 : i32
      %dma_wait3A_97 = tpu.memref_slice %arg3[%run_scoped3A_39, %add3A, %run_scoped3A_40, %dma_wait3A_95, %dma_wait3A_96] : memref<2x32x2x40x125xi32, #tpu.memory_space<hbm>> -> memref<1x1x1x40x125xi32, #tpu.memory_space<hbm>>
      %dma_wait3A_98 = tpu.memref_squeeze %dma_wait3A_97 : memref<1x1x1x40x125xi32, #tpu.memory_space<hbm>> -> memref<40x125xi32, #tpu.memory_space<hbm>>
      tpu.wait_dma2 semaphore(%run_scoped3A_82 : memref<!tpu.dma_semaphore, #tpu.memory_space<semaphore_mem>>) src(%dma_wait3A_98 : memref<40x125xi32, #tpu.memory_space<hbm>>) dst(%arg6 : memref<40x125xi32, #tpu.memory_space<vmem>>)
      tpu.yield
    }) : () -> ()
    %run_scoped3A_41 = arith.constant 1 : i32
    %run_scoped3A_42 = arith.constant 1 : i32
    "tpu.region"() ({
      %run_scoped3A_82 = tpu.sem_alloc : memref<!tpu.dma_semaphore, #tpu.memory_space<semaphore_mem>>
      %dma_start3A_83 = arith.constant 0 : i32
      %dma_start3A_84 = arith.constant 0 : i32
      %dma_start3A_85 = tpu.memref_slice %arg3[%run_scoped3A_41, %add3A, %run_scoped3A_42, %dma_start3A_83, %dma_start3A_84] : memref<2x32x2x40x125xi32, #tpu.memory_space<hbm>> -> memref<1x1x1x40x125xi32, #tpu.memory_space<hbm>>
      %dma_start3A_86 = tpu.memref_squeeze %dma_start3A_85 : memref<1x1x1x40x125xi32, #tpu.memory_space<hbm>> -> memref<40x125xi32, #tpu.memory_space<hbm>>
      %dma_start3A_87 = arith.constant 0 : i32
      %dma_start3A_88 = arith.constant 0 : i32
      %dma_start3A_89 = tpu.memref_slice %arg3[%run_scoped3A_41, %add3A, %run_scoped3A_42, %dma_start3A_87, %dma_start3A_88] : memref<2x32x2x40x125xi32, #tpu.memory_space<hbm>> -> memref<1x1x1x40x125xi32, #tpu.memory_space<hbm>>
      %dma_start3A_90 = tpu.memref_squeeze %dma_start3A_89 : memref<1x1x1x40x125xi32, #tpu.memory_space<hbm>> -> memref<40x125xi32, #tpu.memory_space<hbm>>
      tpu.enqueue_dma source(%dma_start3A_90 : memref<40x125xi32, #tpu.memory_space<hbm>>) target(%arg7 : memref<40x125xi32, #tpu.memory_space<vmem>>) target_semaphore(%run_scoped3A_82 : memref<!tpu.dma_semaphore, #tpu.memory_space<semaphore_mem>>)
      %dma_wait3A_91 = arith.constant 0 : i32
      %dma_wait3A_92 = arith.constant 0 : i32
      %dma_wait3A_93 = tpu.memref_slice %arg3[%run_scoped3A_41, %add3A, %run_scoped3A_42, %dma_wait3A_91, %dma_wait3A_92] : memref<2x32x2x40x125xi32, #tpu.memory_space<hbm>> -> memref<1x1x1x40x125xi32, #tpu.memory_space<hbm>>
      %dma_wait3A_94 = tpu.memref_squeeze %dma_wait3A_93 : memref<1x1x1x40x125xi32, #tpu.memory_space<hbm>> -> memref<40x125xi32, #tpu.memory_space<hbm>>
      %dma_wait3A_95 = arith.constant 0 : i32
      %dma_wait3A_96 = arith.constant 0 : i32
      %dma_wait3A_97 = tpu.memref_slice %arg3[%run_scoped3A_41, %add3A, %run_scoped3A_42, %dma_wait3A_95, %dma_wait3A_96] : memref<2x32x2x40x125xi32, #tpu.memory_space<hbm>> -> memref<1x1x1x40x125xi32, #tpu.memory_space<hbm>>
      %dma_wait3A_98 = tpu.memref_squeeze %dma_wait3A_97 : memref<1x1x1x40x125xi32, #tpu.memory_space<hbm>> -> memref<40x125xi32, #tpu.memory_space<hbm>>
      tpu.wait_dma2 semaphore(%run_scoped3A_82 : memref<!tpu.dma_semaphore, #tpu.memory_space<semaphore_mem>>) src(%dma_wait3A_98 : memref<40x125xi32, #tpu.memory_space<hbm>>) dst(%arg7 : memref<40x125xi32, #tpu.memory_space<vmem>>)
      tpu.yield
    }) : () -> ()
    %dma_start3A_43 = arith.constant 0 : i32
    %dma_start3A_44 = arith.constant 0 : i32
    %dma_start3A_45 = tpu.memref_slice %arg6[%dma_start3A_43, %dma_start3A_44] : memref<40x125xi32, #tpu.memory_space<vmem>> -> memref<1x125xi32, #tpu.memory_space<vmem>>
    %dma_start3A_46 = tpu.memref_squeeze %dma_start3A_45 : memref<1x125xi32, #tpu.memory_space<vmem>> -> memref<125xi32, #tpu.memory_space<vmem>>
    %dma_start3A_47 = arith.constant 0 : i32
    %dma_start3A_48 = arith.constant 0 : i32
    %dma_start3A_49 = tpu.memref_slice %arg2[%dma_start3A_47, %dma_start3A_48] : memref<10240x128xf32, #tpu.memory_space<hbm>> -> memref<10240x128xf32, #tpu.memory_space<hbm>>
    tpu.enqueue_indirect_dma source(%dma_start3A_49 : memref<10240x128xf32, #tpu.memory_space<hbm>>) target(%arg8 : memref<125x128xf32, #tpu.memory_space<vmem>>) offsets(%dma_start3A_46 : memref<125xi32, #tpu.memory_space<vmem>>) semaphore(%arg11 : memref<!tpu.dma_semaphore, #tpu.memory_space<semaphore_mem>>)
    %dma_start3A_50 = arith.constant 1 : i32
    %dma_start3A_51 = arith.constant 0 : i32
    %dma_start3A_52 = tpu.memref_slice %arg6[%dma_start3A_50, %dma_start3A_51] : memref<40x125xi32, #tpu.memory_space<vmem>> -> memref<1x125xi32, #tpu.memory_space<vmem>>
    %dma_start3A_53 = tpu.memref_squeeze %dma_start3A_52 : memref<1x125xi32, #tpu.memory_space<vmem>> -> memref<125xi32, #tpu.memory_space<vmem>>
    %dma_start3A_54 = arith.constant 0 : i32
    %dma_start3A_55 = arith.constant 0 : i32
    %dma_start3A_56 = tpu.memref_slice %arg2[%dma_start3A_54, %dma_start3A_55] : memref<10240x128xf32, #tpu.memory_space<hbm>> -> memref<10240x128xf32, #tpu.memory_space<hbm>>
    tpu.enqueue_indirect_dma source(%dma_start3A_56 : memref<10240x128xf32, #tpu.memory_space<hbm>>) target(%arg9 : memref<125x128xf32, #tpu.memory_space<vmem>>) offsets(%dma_start3A_53 : memref<125xi32, #tpu.memory_space<vmem>>) semaphore(%arg12 : memref<!tpu.dma_semaphore, #tpu.memory_space<semaphore_mem>>)
    %scan3A_57 = arith.constant 0 : i32
    %scan3A_58 = arith.constant 0 : i32
    %scan3A_59 = arith.constant 20 : i32
    %scan3A_60 = arith.addi %scan3A_58, %scan3A_59 : i32
    %scan3A_61 = arith.constant 1 : i32
    scf.for %scan3A_82 = %scan3A_58 to %scan3A_60 step %scan3A_61  : i32 {
      %mul3A_83 = arith.constant 2 : i32
      %mul3A_84 = arith.muli %mul3A_83, %scan3A_82 : i32
      %add3A_85 = arith.constant 1 : i32
      %add3A_86 = arith.addi %mul3A_84, %add3A_85 : i32
      %dma_wait3A_87 = arith.constant 0 : i32
      %dma_wait3A_88 = tpu.memref_slice %arg6[%mul3A_84, %dma_wait3A_87] : memref<40x125xi32, #tpu.memory_space<vmem>> -> memref<1x125xi32, #tpu.memory_space<vmem>>
      %dma_wait3A_89 = tpu.memref_squeeze %dma_wait3A_88 : memref<1x125xi32, #tpu.memory_space<vmem>> -> memref<125xi32, #tpu.memory_space<vmem>>
      %dma_wait3A_90 = arith.constant 0 : i32
      %dma_wait3A_91 = arith.constant 0 : i32
      %dma_wait3A_92 = tpu.memref_slice %arg2[%dma_wait3A_90, %dma_wait3A_91] : memref<10240x128xf32, #tpu.memory_space<hbm>> -> memref<10240x128xf32, #tpu.memory_space<hbm>>
      tpu.wait_indirect_dma semaphore(%arg11 : memref<!tpu.dma_semaphore, #tpu.memory_space<semaphore_mem>>) src(%dma_wait3A_92 : memref<10240x128xf32, #tpu.memory_space<hbm>>) dst(%arg8 : memref<125x128xf32, #tpu.memory_space<vmem>>)
      "tpu.region"() ({
        %run_scoped3A_118 = tpu.sem_alloc : memref<!tpu.dma_semaphore, #tpu.memory_space<semaphore_mem>>
        %dma_start3A_119 = arith.constant 0 : i32
        %dma_start3A_120 = tpu.memref_slice %arg7[%mul3A_84, %dma_start3A_119] : memref<40x125xi32, #tpu.memory_space<vmem>> -> memref<1x125xi32, #tpu.memory_space<vmem>>
        %dma_start3A_121 = tpu.memref_squeeze %dma_start3A_120 : memref<1x125xi32, #tpu.memory_space<vmem>> -> memref<125xi32, #tpu.memory_space<vmem>>
        %dma_start3A_122 = arith.constant 0 : i32
        %dma_start3A_123 = arith.constant 0 : i32
        %dma_start3A_124 = tpu.memref_slice %arg10[%dma_start3A_122, %dma_start3A_123] : memref<10240x128xf32, #tpu.memory_space<vmem_shared>> -> memref<10240x128xf32, #tpu.memory_space<vmem_shared>>
        tpu.enqueue_indirect_dma source(%arg8 : memref<125x128xf32, #tpu.memory_space<vmem>>) target(%dma_start3A_124 : memref<10240x128xf32, #tpu.memory_space<vmem_shared>>) offsets(%dma_start3A_121 : memref<125xi32, #tpu.memory_space<vmem>>) semaphore(%run_scoped3A_118 : memref<!tpu.dma_semaphore, #tpu.memory_space<semaphore_mem>>) {add = true}
        %dma_wait3A_125 = arith.constant 0 : i32
        %dma_wait3A_126 = tpu.memref_slice %arg7[%mul3A_84, %dma_wait3A_125] : memref<40x125xi32, #tpu.memory_space<vmem>> -> memref<1x125xi32, #tpu.memory_space<vmem>>
        %dma_wait3A_127 = tpu.memref_squeeze %dma_wait3A_126 : memref<1x125xi32, #tpu.memory_space<vmem>> -> memref<125xi32, #tpu.memory_space<vmem>>
        %dma_wait3A_128 = arith.constant 0 : i32
        %dma_wait3A_129 = arith.constant 0 : i32
        %dma_wait3A_130 = tpu.memref_slice %arg10[%dma_wait3A_128, %dma_wait3A_129] : memref<10240x128xf32, #tpu.memory_space<vmem_shared>> -> memref<10240x128xf32, #tpu.memory_space<vmem_shared>>
        tpu.wait_indirect_dma semaphore(%run_scoped3A_118 : memref<!tpu.dma_semaphore, #tpu.memory_space<semaphore_mem>>) src(%arg8 : memref<125x128xf32, #tpu.memory_space<vmem>>) dst(%dma_wait3A_130 : memref<10240x128xf32, #tpu.memory_space<vmem_shared>>)
        tpu.yield
      }) : () -> ()
      %add3A_93 = arith.constant 2 : i32
      %add3A_94 = arith.addi %mul3A_84, %add3A_93 : i32
      %min3A = arith.constant 39 : i32
      %min3A_95 = arith.minsi %add3A_94, %min3A : i32
      %dma_start3A_96 = arith.constant 0 : i32
      %dma_start3A_97 = tpu.memref_slice %arg6[%min3A_95, %dma_start3A_96] : memref<40x125xi32, #tpu.memory_space<vmem>> -> memref<1x125xi32, #tpu.memory_space<vmem>>
      %dma_start3A_98 = tpu.memref_squeeze %dma_start3A_97 : memref<1x125xi32, #tpu.memory_space<vmem>> -> memref<125xi32, #tpu.memory_space<vmem>>
      %dma_start3A_99 = arith.constant 0 : i32
      %dma_start3A_100 = arith.constant 0 : i32
      %dma_start3A_101 = tpu.memref_slice %arg2[%dma_start3A_99, %dma_start3A_100] : memref<10240x128xf32, #tpu.memory_space<hbm>> -> memref<10240x128xf32, #tpu.memory_space<hbm>>
      tpu.enqueue_indirect_dma source(%dma_start3A_101 : memref<10240x128xf32, #tpu.memory_space<hbm>>) target(%arg8 : memref<125x128xf32, #tpu.memory_space<vmem>>) offsets(%dma_start3A_98 : memref<125xi32, #tpu.memory_space<vmem>>) semaphore(%arg11 : memref<!tpu.dma_semaphore, #tpu.memory_space<semaphore_mem>>)
      %dma_wait3A_102 = arith.constant 0 : i32
      %dma_wait3A_103 = tpu.memref_slice %arg6[%add3A_86, %dma_wait3A_102] : memref<40x125xi32, #tpu.memory_space<vmem>> -> memref<1x125xi32, #tpu.memory_space<vmem>>
      %dma_wait3A_104 = tpu.memref_squeeze %dma_wait3A_103 : memref<1x125xi32, #tpu.memory_space<vmem>> -> memref<125xi32, #tpu.memory_space<vmem>>
      %dma_wait3A_105 = arith.constant 0 : i32
      %dma_wait3A_106 = arith.constant 0 : i32
      %dma_wait3A_107 = tpu.memref_slice %arg2[%dma_wait3A_105, %dma_wait3A_106] : memref<10240x128xf32, #tpu.memory_space<hbm>> -> memref<10240x128xf32, #tpu.memory_space<hbm>>
      tpu.wait_indirect_dma semaphore(%arg12 : memref<!tpu.dma_semaphore, #tpu.memory_space<semaphore_mem>>) src(%dma_wait3A_107 : memref<10240x128xf32, #tpu.memory_space<hbm>>) dst(%arg9 : memref<125x128xf32, #tpu.memory_space<vmem>>)
      "tpu.region"() ({
        %run_scoped3A_118 = tpu.sem_alloc : memref<!tpu.dma_semaphore, #tpu.memory_space<semaphore_mem>>
        %dma_start3A_119 = arith.constant 0 : i32
        %dma_start3A_120 = tpu.memref_slice %arg7[%add3A_86, %dma_start3A_119] : memref<40x125xi32, #tpu.memory_space<vmem>> -> memref<1x125xi32, #tpu.memory_space<vmem>>
        %dma_start3A_121 = tpu.memref_squeeze %dma_start3A_120 : memref<1x125xi32, #tpu.memory_space<vmem>> -> memref<125xi32, #tpu.memory_space<vmem>>
        %dma_start3A_122 = arith.constant 0 : i32
        %dma_start3A_123 = arith.constant 0 : i32
        %dma_start3A_124 = tpu.memref_slice %arg10[%dma_start3A_122, %dma_start3A_123] : memref<10240x128xf32, #tpu.memory_space<vmem_shared>> -> memref<10240x128xf32, #tpu.memory_space<vmem_shared>>
        tpu.enqueue_indirect_dma source(%arg9 : memref<125x128xf32, #tpu.memory_space<vmem>>) target(%dma_start3A_124 : memref<10240x128xf32, #tpu.memory_space<vmem_shared>>) offsets(%dma_start3A_121 : memref<125xi32, #tpu.memory_space<vmem>>) semaphore(%run_scoped3A_118 : memref<!tpu.dma_semaphore, #tpu.memory_space<semaphore_mem>>) {add = true}
        %dma_wait3A_125 = arith.constant 0 : i32
        %dma_wait3A_126 = tpu.memref_slice %arg7[%add3A_86, %dma_wait3A_125] : memref<40x125xi32, #tpu.memory_space<vmem>> -> memref<1x125xi32, #tpu.memory_space<vmem>>
        %dma_wait3A_127 = tpu.memref_squeeze %dma_wait3A_126 : memref<1x125xi32, #tpu.memory_space<vmem>> -> memref<125xi32, #tpu.memory_space<vmem>>
        %dma_wait3A_128 = arith.constant 0 : i32
        %dma_wait3A_129 = arith.constant 0 : i32
        %dma_wait3A_130 = tpu.memref_slice %arg10[%dma_wait3A_128, %dma_wait3A_129] : memref<10240x128xf32, #tpu.memory_space<vmem_shared>> -> memref<10240x128xf32, #tpu.memory_space<vmem_shared>>
        tpu.wait_indirect_dma semaphore(%run_scoped3A_118 : memref<!tpu.dma_semaphore, #tpu.memory_space<semaphore_mem>>) src(%arg9 : memref<125x128xf32, #tpu.memory_space<vmem>>) dst(%dma_wait3A_130 : memref<10240x128xf32, #tpu.memory_space<vmem_shared>>)
        tpu.yield
      }) : () -> ()
      %add3A_108 = arith.constant 2 : i32
      %add3A_109 = arith.addi %add3A_86, %add3A_108 : i32
      %min3A_110 = arith.constant 39 : i32
      %min3A_111 = arith.minsi %add3A_109, %min3A_110 : i32
      %dma_start3A_112 = arith.constant 0 : i32
      %dma_start3A_113 = tpu.memref_slice %arg6[%min3A_111, %dma_start3A_112] : memref<40x125xi32, #tpu.memory_space<vmem>> -> memref<1x125xi32, #tpu.memory_space<vmem>>
      %dma_start3A_114 = tpu.memref_squeeze %dma_start3A_113 : memref<1x125xi32, #tpu.memory_space<vmem>> -> memref<125xi32, #tpu.memory_space<vmem>>
      %dma_start3A_115 = arith.constant 0 : i32
      %dma_start3A_116 = arith.constant 0 : i32
      %dma_start3A_117 = tpu.memref_slice %arg2[%dma_start3A_115, %dma_start3A_116] : memref<10240x128xf32, #tpu.memory_space<hbm>> -> memref<10240x128xf32, #tpu.memory_space<hbm>>
      tpu.enqueue_indirect_dma source(%dma_start3A_117 : memref<10240x128xf32, #tpu.memory_space<hbm>>) target(%arg9 : memref<125x128xf32, #tpu.memory_space<vmem>>) offsets(%dma_start3A_114 : memref<125xi32, #tpu.memory_space<vmem>>) semaphore(%arg12 : memref<!tpu.dma_semaphore, #tpu.memory_space<semaphore_mem>>)
    }
    %scan3A_62 = arith.constant 20 : i32
    %dma_wait3A_63 = arith.constant 0 : i32
    %dma_wait3A_64 = arith.constant 0 : i32
    %dma_wait3A_65 = tpu.memref_slice %arg6[%dma_wait3A_63, %dma_wait3A_64] : memref<40x125xi32, #tpu.memory_space<vmem>> -> memref<1x125xi32, #tpu.memory_space<vmem>>
    %dma_wait3A_66 = tpu.memref_squeeze %dma_wait3A_65 : memref<1x125xi32, #tpu.memory_space<vmem>> -> memref<125xi32, #tpu.memory_space<vmem>>
    %dma_wait3A_67 = arith.constant 0 : i32
    %dma_wait3A_68 = arith.constant 0 : i32
    %dma_wait3A_69 = tpu.memref_slice %arg2[%dma_wait3A_67, %dma_wait3A_68] : memref<10240x128xf32, #tpu.memory_space<hbm>> -> memref<10240x128xf32, #tpu.memory_space<hbm>>
    tpu.wait_indirect_dma semaphore(%arg11 : memref<!tpu.dma_semaphore, #tpu.memory_space<semaphore_mem>>) src(%dma_wait3A_69 : memref<10240x128xf32, #tpu.memory_space<hbm>>) dst(%arg8 : memref<125x128xf32, #tpu.memory_space<vmem>>)
    %dma_wait3A_70 = arith.constant 0 : i32
    %dma_wait3A_71 = arith.constant 0 : i32
    %dma_wait3A_72 = tpu.memref_slice %arg6[%dma_wait3A_70, %dma_wait3A_71] : memref<40x125xi32, #tpu.memory_space<vmem>> -> memref<1x125xi32, #tpu.memory_space<vmem>>
    %dma_wait3A_73 = tpu.memref_squeeze %dma_wait3A_72 : memref<1x125xi32, #tpu.memory_space<vmem>> -> memref<125xi32, #tpu.memory_space<vmem>>
    %dma_wait3A_74 = arith.constant 0 : i32
    %dma_wait3A_75 = arith.constant 0 : i32
    %dma_wait3A_76 = tpu.memref_slice %arg2[%dma_wait3A_74, %dma_wait3A_75] : memref<10240x128xf32, #tpu.memory_space<hbm>> -> memref<10240x128xf32, #tpu.memory_space<hbm>>
    tpu.wait_indirect_dma semaphore(%arg12 : memref<!tpu.dma_semaphore, #tpu.memory_space<semaphore_mem>>) src(%dma_wait3A_76 : memref<10240x128xf32, #tpu.memory_space<hbm>>) dst(%arg9 : memref<125x128xf32, #tpu.memory_space<vmem>>)
    %barrier3A_77 = arith.constant 0 : index
    tpu.barrier barrier_id(%barrier3A_77)
    %mul3A_78 = arith.constant 640 : i32
    %mul3A_79 = arith.muli %arg1, %mul3A_78 : i32
    %mul3A_80 = arith.constant 640 : i32
    %mul3A_81 = arith.muli %arg1, %mul3A_80 : i32
    "tpu.region"() ({
      %run_scoped3A_82 = tpu.sem_alloc : memref<!tpu.dma_semaphore, #tpu.memory_space<semaphore_mem>>
      %dma_start3A_83 = arith.constant 0 : i32
      %dma_start3A_84 = tpu.memref_slice %arg5[%arg0, %mul3A_81, %dma_start3A_83] : memref<2x10240x128xf32, #tpu.memory_space<hbm>> -> memref<1x640x128xf32, #tpu.memory_space<hbm>>
      %dma_start3A_85 = tpu.memref_squeeze %dma_start3A_84 : memref<1x640x128xf32, #tpu.memory_space<hbm>> -> memref<640x128xf32, #tpu.memory_space<hbm>>
      %dma_start3A_86 = arith.constant 0 : i32
      %dma_start3A_87 = tpu.memref_slice %arg10[%mul3A_79, %dma_start3A_86] : memref<10240x128xf32, #tpu.memory_space<vmem_shared>> -> memref<640x128xf32, #tpu.memory_space<vmem_shared>>
      tpu.enqueue_dma source(%dma_start3A_87 : memref<640x128xf32, #tpu.memory_space<vmem_shared>>) target(%dma_start3A_85 : memref<640x128xf32, #tpu.memory_space<hbm>>) target_semaphore(%run_scoped3A_82 : memref<!tpu.dma_semaphore, #tpu.memory_space<semaphore_mem>>)
      %dma_wait3A_88 = arith.constant 0 : i32
      %dma_wait3A_89 = tpu.memref_slice %arg5[%arg0, %mul3A_81, %dma_wait3A_88] : memref<2x10240x128xf32, #tpu.memory_space<hbm>> -> memref<1x640x128xf32, #tpu.memory_space<hbm>>
      %dma_wait3A_90 = tpu.memref_squeeze %dma_wait3A_89 : memref<1x640x128xf32, #tpu.memory_space<hbm>> -> memref<640x128xf32, #tpu.memory_space<hbm>>
      %dma_wait3A_91 = arith.constant 0 : i32
      %dma_wait3A_92 = tpu.memref_slice %arg10[%mul3A_79, %dma_wait3A_91] : memref<10240x128xf32, #tpu.memory_space<vmem_shared>> -> memref<640x128xf32, #tpu.memory_space<vmem_shared>>
      tpu.wait_dma2 semaphore(%run_scoped3A_82 : memref<!tpu.dma_semaphore, #tpu.memory_space<semaphore_mem>>) src(%dma_wait3A_92 : memref<640x128xf32, #tpu.memory_space<vmem_shared>>) dst(%dma_wait3A_90 : memref<640x128xf32, #tpu.memory_space<hbm>>)
      tpu.yield
    }) : () -> ()
    return
  }
}

module attributes {stable_mosaic.version = 14 : i64} {
  func.func @_tc1_body(%arg0: i32, %arg1: memref<2x1024xf32, #tpu.memory_space<vmem>>, %arg2: memref<1024x128xf32, #tpu.memory_space<vmem>>, %arg3: memref<128x128xf32, #tpu.memory_space<vmem>>, %arg4: memref<1024xf32, #tpu.memory_space<vmem>>, %arg5: memref<1024x128xf32, #tpu.memory_space<vmem>>) attributes {dimension_semantics = [#tpu.dimension_semantics<arbitrary>], iteration_bounds = array<i64: 10>, scalar_prefetch = 0 : i64, scratch_operands = 0 : i64, tpu.core_type = #tpu.core_type<tc>, window_params = [{transform_indices = @transform_0, window_bounds = array<i64: 2, 1024>}, {transform_indices = @transform_1, window_bounds = array<i64: 1024, 128>}, {pipeline_mode = #tpu.pipeline_mode<synchronous>, transform_indices = @transform_2, window_bounds = array<i64: 128, 128>}, {transform_indices = @transform_3, window_bounds = array<i64: 1024>}, {transform_indices = @transform_4, window_bounds = array<i64: 1024, 128>}]} {
    %get3A = arith.constant 0 : index
    %get3A_0 = arith.constant 0 : index
    %get3A_1 = vector.load %arg1[%get3A, %get3A_0] : memref<2x1024xf32, #tpu.memory_space<vmem>>, vector<1x1024xf32>
    %get3A_2 = vector.shape_cast %get3A_1 : vector<1x1024xf32> to vector<1024xf32>
    %get3A_3 = arith.constant 1 : index
    %get3A_4 = arith.constant 0 : index
    %get3A_5 = vector.load %arg1[%get3A_3, %get3A_4] : memref<2x1024xf32, #tpu.memory_space<vmem>>, vector<1x1024xf32>
    %get3A_6 = vector.shape_cast %get3A_5 : vector<1x1024xf32> to vector<1024xf32>
    %add3A = arith.addf %get3A_2, %get3A_6 : vector<1024xf32>
    %add3A_7 = arith.constant 1.000000e+00 : f32
    %add3A_8 = vector.broadcast %add3A_7 : f32 to vector<1024xf32>
    %add3A_9 = arith.addf %add3A, %add3A_8 : vector<1024xf32>
    %rsqrt3A = math.rsqrt %add3A_9 : vector<1024xf32>
    %swap3A = arith.constant 0 : index
    %swap3A_10 = vector.load %arg4[%swap3A] : memref<1024xf32, #tpu.memory_space<vmem>>, vector<1024xf32>
    tpu.vector_store %arg4[%swap3A], %rsqrt3A {strides = array<i32>} : memref<1024xf32, #tpu.memory_space<vmem>>, vector<1024xf32>,
    %get3A_11 = arith.constant 0 : index
    %get3A_12 = arith.constant 0 : index
    %get3A_13 = vector.load %arg2[%get3A_11, %get3A_12] : memref<1024x128xf32, #tpu.memory_space<vmem>>, vector<1024x128xf32>
    %get3A_14 = arith.constant 0 : index
    %get3A_15 = arith.constant 0 : index
    %get3A_16 = vector.load %arg3[%get3A_14, %get3A_15] : memref<128x128xf32, #tpu.memory_space<vmem>>, vector<128x128xf32>
    %dot_general3A = arith.constant dense<0.000000e+00> : vector<1024x128xf32>
    %dot_general3A_17 = tpu.matmul %get3A_13, %get3A_16, %dot_general3A {dimension_numbers = #tpu.dot_dimension_numbers<[1], [0], [0], [1], [0, 0, 1, 1], [], []>, transpose_lhs_hint = false} : vector<1024x128xf32>, vector<128x128xf32>, vector<1024x128xf32> -> vector<1024x128xf32>
    %broadcast_in_dim3A = vector.shape_cast %rsqrt3A : vector<1024xf32> to vector<1024x1xf32>
    %mul3A = vector.broadcast %broadcast_in_dim3A : vector<1024x1xf32> to vector<1024x128xf32>
    %mul3A_18 = arith.mulf %dot_general3A_17, %mul3A : vector<1024x128xf32>
    %swap3A_19 = arith.constant 0 : index
    %swap3A_20 = arith.constant 0 : index
    %swap3A_21 = vector.load %arg5[%swap3A_19, %swap3A_20] : memref<1024x128xf32, #tpu.memory_space<vmem>>, vector<1024x128xf32>
    tpu.vector_store %arg5[%swap3A_19, %swap3A_20], %mul3A_18 {strides = array<i32>} : memref<1024x128xf32, #tpu.memory_space<vmem>>, vector<1024x128xf32>,
    return
  }
  func.func @transform_0(%arg0: i32) -> (i32, i32) {
    %c0_i32 = arith.constant 0 : i32
    %c0_i32_0 = arith.constant 0 : i32
    return %c0_i32, %arg0 : i32, i32
  }
  func.func @transform_1(%arg0: i32) -> (i32, i32) {
    %c0_i32 = arith.constant 0 : i32
    %c0_i32_0 = arith.constant 0 : i32
    return %arg0, %c0_i32 : i32, i32
  }
  func.func @transform_2(%arg0: i32) -> (i32, i32) {
    %c0_i32 = arith.constant 0 : i32
    %c0_i32_0 = arith.constant 0 : i32
    %c0_i32_1 = arith.constant 0 : i32
    return %c0_i32, %c0_i32_0 : i32, i32
  }
  func.func @transform_3(%arg0: i32) -> i32 {
    %c0_i32 = arith.constant 0 : i32
    return %arg0 : i32
  }
  func.func @transform_4(%arg0: i32) -> (i32, i32) {
    %c0_i32 = arith.constant 0 : i32
    %c0_i32_0 = arith.constant 0 : i32
    return %arg0, %c0_i32 : i32, i32
  }
}

module attributes {stable_mosaic.version = 14 : i64} {
  func.func @_tc2_body(%arg0: i32, %arg1: memref<2x1024x128xf32, #tpu.memory_space<vmem>>, %arg2: memref<1024x128xf32, #tpu.memory_space<vmem>>, %arg3: memref<1024xf32, #tpu.memory_space<vmem>>, %arg4: memref<128xf32, #tpu.memory_space<vmem>>, %arg5: memref<128x128xf32, #tpu.memory_space<vmem>>, %arg6: memref<1024x128xf32, #tpu.memory_space<vmem>>) attributes {dimension_semantics = [#tpu.dimension_semantics<arbitrary>], iteration_bounds = array<i64: 10>, scalar_prefetch = 0 : i64, scratch_operands = 0 : i64, tpu.core_type = #tpu.core_type<tc>, window_params = [{transform_indices = @transform_0, window_bounds = array<i64: 2, 1024, 128>}, {transform_indices = @transform_1, window_bounds = array<i64: 1024, 128>}, {transform_indices = @transform_2, window_bounds = array<i64: 1024>}, {pipeline_mode = #tpu.pipeline_mode<synchronous>, transform_indices = @transform_3, window_bounds = array<i64: 128>}, {pipeline_mode = #tpu.pipeline_mode<synchronous>, transform_indices = @transform_4, window_bounds = array<i64: 128, 128>}, {transform_indices = @transform_5, window_bounds = array<i64: 1024, 128>}]} {
    %get3A = arith.constant 0 : index
    %get3A_0 = vector.load %arg3[%get3A] : memref<1024xf32, #tpu.memory_space<vmem>>, vector<1024xf32>
    %get3A_1 = arith.constant 0 : index
    %get3A_2 = arith.constant 0 : index
    %get3A_3 = arith.constant 0 : index
    %get3A_4 = vector.load %arg1[%get3A_1, %get3A_2, %get3A_3] : memref<2x1024x128xf32, #tpu.memory_space<vmem>>, vector<1x1024x128xf32>
    %get3A_5 = vector.shape_cast %get3A_4 : vector<1x1024x128xf32> to vector<1024x128xf32>
    %get3A_6 = arith.constant 1 : index
    %get3A_7 = arith.constant 0 : index
    %get3A_8 = arith.constant 0 : index
    %get3A_9 = vector.load %arg1[%get3A_6, %get3A_7, %get3A_8] : memref<2x1024x128xf32, #tpu.memory_space<vmem>>, vector<1x1024x128xf32>
    %get3A_10 = vector.shape_cast %get3A_9 : vector<1x1024x128xf32> to vector<1024x128xf32>
    %add3A = arith.addf %get3A_5, %get3A_10 : vector<1024x128xf32>
    %get3A_11 = arith.constant 0 : index
    %get3A_12 = arith.constant 0 : index
    %get3A_13 = vector.load %arg2[%get3A_11, %get3A_12] : memref<1024x128xf32, #tpu.memory_space<vmem>>, vector<1024x128xf32>
    %add3A_14 = arith.addf %add3A, %get3A_13 : vector<1024x128xf32>
    %broadcast_in_dim3A = vector.shape_cast %get3A_0 : vector<1024xf32> to vector<1024x1xf32>
    %mul3A = vector.broadcast %broadcast_in_dim3A : vector<1024x1xf32> to vector<1024x128xf32>
    %mul3A_15 = arith.mulf %add3A_14, %mul3A : vector<1024x128xf32>
    %get3A_16 = arith.constant 0 : index
    %get3A_17 = vector.load %arg4[%get3A_16] : memref<128xf32, #tpu.memory_space<vmem>>, vector<128xf32>
    %broadcast_in_dim3A_18 = vector.shape_cast %get3A_17 : vector<128xf32> to vector<1x128xf32>
    %add3A_19 = vector.broadcast %broadcast_in_dim3A_18 : vector<1x128xf32> to vector<1024x128xf32>
    %add3A_20 = arith.addf %mul3A_15, %add3A_19 : vector<1024x128xf32>
    %max3A = arith.constant 0.000000e+00 : f32
    %max3A_21 = vector.broadcast %max3A : f32 to vector<1024x128xf32>
    %max3A_22 = arith.maximumf %add3A_20, %max3A_21 : vector<1024x128xf32>
    %get3A_23 = arith.constant 0 : index
    %get3A_24 = arith.constant 0 : index
    %get3A_25 = vector.load %arg5[%get3A_23, %get3A_24] : memref<128x128xf32, #tpu.memory_space<vmem>>, vector<128x128xf32>
    %dot_general3A = arith.constant dense<0.000000e+00> : vector<1024x128xf32>
    %dot_general3A_26 = tpu.matmul %max3A_22, %get3A_25, %dot_general3A {dimension_numbers = #tpu.dot_dimension_numbers<[1], [0], [0], [1], [0, 0, 1, 1], [], []>, transpose_lhs_hint = false} : vector<1024x128xf32>, vector<128x128xf32>, vector<1024x128xf32> -> vector<1024x128xf32>
    %broadcast_in_dim3A_27 = vector.shape_cast %get3A_0 : vector<1024xf32> to vector<1024x1xf32>
    %mul3A_28 = vector.broadcast %broadcast_in_dim3A_27 : vector<1024x1xf32> to vector<1024x128xf32>
    %mul3A_29 = arith.mulf %dot_general3A_26, %mul3A_28 : vector<1024x128xf32>
    %swap3A = arith.constant 0 : index
    %swap3A_30 = arith.constant 0 : index
    %swap3A_31 = vector.load %arg6[%swap3A, %swap3A_30] : memref<1024x128xf32, #tpu.memory_space<vmem>>, vector<1024x128xf32>
    tpu.vector_store %arg6[%swap3A, %swap3A_30], %mul3A_29 {strides = array<i32>} : memref<1024x128xf32, #tpu.memory_space<vmem>>, vector<1024x128xf32>,
    return
  }
  func.func @transform_0(%arg0: i32) -> (i32, i32, i32) {
    %c0_i32 = arith.constant 0 : i32
    %c0_i32_0 = arith.constant 0 : i32
    %c0_i32_1 = arith.constant 0 : i32
    return %c0_i32, %arg0, %c0_i32_0 : i32, i32, i32
  }
  func.func @transform_1(%arg0: i32) -> (i32, i32) {
    %c0_i32 = arith.constant 0 : i32
    %c0_i32_0 = arith.constant 0 : i32
    return %arg0, %c0_i32 : i32, i32
  }
  func.func @transform_2(%arg0: i32) -> i32 {
    %c0_i32 = arith.constant 0 : i32
    return %arg0 : i32
  }
  func.func @transform_3(%arg0: i32) -> i32 {
    %c0_i32 = arith.constant 0 : i32
    %c0_i32_0 = arith.constant 0 : i32
    return %c0_i32 : i32
  }
  func.func @transform_4(%arg0: i32) -> (i32, i32) {
    %c0_i32 = arith.constant 0 : i32
    %c0_i32_0 = arith.constant 0 : i32
    %c0_i32_1 = arith.constant 0 : i32
    return %c0_i32, %c0_i32_0 : i32, i32
  }
  func.func @transform_5(%arg0: i32) -> (i32, i32) {
    %c0_i32 = arith.constant 0 : i32
    %c0_i32_0 = arith.constant 0 : i32
    return %arg0, %c0_i32 : i32, i32
  }
}

module attributes {stable_mosaic.version = 14 : i64} {
  func.func @_tc3_body(%arg0: i32, %arg1: memref<2x1024x128xf32, #tpu.memory_space<vmem>>, %arg2: memref<1024x128xf32, #tpu.memory_space<vmem>>, %arg3: memref<1024xf32, #tpu.memory_space<vmem>>, %arg4: memref<128xf32, #tpu.memory_space<vmem>>, %arg5: memref<1024x128xf32, #tpu.memory_space<vmem>>) attributes {dimension_semantics = [#tpu.dimension_semantics<arbitrary>], iteration_bounds = array<i64: 10>, scalar_prefetch = 0 : i64, scratch_operands = 0 : i64, tpu.core_type = #tpu.core_type<tc>, window_params = [{transform_indices = @transform_0, window_bounds = array<i64: 2, 1024, 128>}, {transform_indices = @transform_1, window_bounds = array<i64: 1024, 128>}, {transform_indices = @transform_2, window_bounds = array<i64: 1024>}, {pipeline_mode = #tpu.pipeline_mode<synchronous>, transform_indices = @transform_3, window_bounds = array<i64: 128>}, {transform_indices = @transform_4, window_bounds = array<i64: 1024, 128>}]} {
    %get3A = arith.constant 0 : index
    %get3A_0 = vector.load %arg3[%get3A] : memref<1024xf32, #tpu.memory_space<vmem>>, vector<1024xf32>
    %get3A_1 = arith.constant 0 : index
    %get3A_2 = arith.constant 0 : index
    %get3A_3 = arith.constant 0 : index
    %get3A_4 = vector.load %arg1[%get3A_1, %get3A_2, %get3A_3] : memref<2x1024x128xf32, #tpu.memory_space<vmem>>, vector<1x1024x128xf32>
    %get3A_5 = vector.shape_cast %get3A_4 : vector<1x1024x128xf32> to vector<1024x128xf32>
    %get3A_6 = arith.constant 1 : index
    %get3A_7 = arith.constant 0 : index
    %get3A_8 = arith.constant 0 : index
    %get3A_9 = vector.load %arg1[%get3A_6, %get3A_7, %get3A_8] : memref<2x1024x128xf32, #tpu.memory_space<vmem>>, vector<1x1024x128xf32>
    %get3A_10 = vector.shape_cast %get3A_9 : vector<1x1024x128xf32> to vector<1024x128xf32>
    %add3A = arith.addf %get3A_5, %get3A_10 : vector<1024x128xf32>
    %get3A_11 = arith.constant 0 : index
    %get3A_12 = arith.constant 0 : index
    %get3A_13 = vector.load %arg2[%get3A_11, %get3A_12] : memref<1024x128xf32, #tpu.memory_space<vmem>>, vector<1024x128xf32>
    %add3A_14 = arith.addf %add3A, %get3A_13 : vector<1024x128xf32>
    %broadcast_in_dim3A = vector.shape_cast %get3A_0 : vector<1024xf32> to vector<1024x1xf32>
    %mul3A = vector.broadcast %broadcast_in_dim3A : vector<1024x1xf32> to vector<1024x128xf32>
    %mul3A_15 = arith.mulf %add3A_14, %mul3A : vector<1024x128xf32>
    %get3A_16 = arith.constant 0 : index
    %get3A_17 = vector.load %arg4[%get3A_16] : memref<128xf32, #tpu.memory_space<vmem>>, vector<128xf32>
    %broadcast_in_dim3A_18 = vector.shape_cast %get3A_17 : vector<128xf32> to vector<1x128xf32>
    %add3A_19 = vector.broadcast %broadcast_in_dim3A_18 : vector<1x128xf32> to vector<1024x128xf32>
    %add3A_20 = arith.addf %mul3A_15, %add3A_19 : vector<1024x128xf32>
    %swap3A = arith.constant 0 : index
    %swap3A_21 = arith.constant 0 : index
    %swap3A_22 = vector.load %arg5[%swap3A, %swap3A_21] : memref<1024x128xf32, #tpu.memory_space<vmem>>, vector<1024x128xf32>
    tpu.vector_store %arg5[%swap3A, %swap3A_21], %add3A_20 {strides = array<i32>} : memref<1024x128xf32, #tpu.memory_space<vmem>>, vector<1024x128xf32>,
    return
  }
  func.func @transform_0(%arg0: i32) -> (i32, i32, i32) {
    %c0_i32 = arith.constant 0 : i32
    %c0_i32_0 = arith.constant 0 : i32
    %c0_i32_1 = arith.constant 0 : i32
    return %c0_i32, %arg0, %c0_i32_0 : i32, i32, i32
  }
  func.func @transform_1(%arg0: i32) -> (i32, i32) {
    %c0_i32 = arith.constant 0 : i32
    %c0_i32_0 = arith.constant 0 : i32
    return %arg0, %c0_i32 : i32, i32
  }
  func.func @transform_2(%arg0: i32) -> i32 {
    %c0_i32 = arith.constant 0 : i32
    return %arg0 : i32
  }
  func.func @transform_3(%arg0: i32) -> i32 {
    %c0_i32 = arith.constant 0 : i32
    %c0_i32_0 = arith.constant 0 : i32
    return %c0_i32 : i32
  }
  func.func @transform_4(%arg0: i32) -> (i32, i32) {
    %c0_i32 = arith.constant 0 : i32
    %c0_i32_0 = arith.constant 0 : i32
    return %arg0, %c0_i32 : i32, i32
  }
}

</mosaic_0001>

<sc_bundles>
// kernel: kernel.11.cloned.1.call-start
scs
__scs_entry_jumppad:
0x0: {  	(pc) =	sbr.rel $0x88, $3  }
0x1: {  	(tag) =	ssettag $0x0;
	lr =	simm.s32 $0x1  }
0x2: {  	[smem:$0x3F9B] =	sst lr;
	_ =	strace $0xD0000000  }
0x3: {  	_ = 	snop  }
0x4: {  	_ = 	snop  }
0x5: {  	_ = 	snop  }
0x6: {  	_ = 	snop  }
0x7: {  	_ = 	snop  }
__scs_overlays_trampoline_lowered:
0x8: {  	[smem:$0x3FAA] =	sst s0  }
0x9: {  	[smem:$0x3FAB] =	sst s1  }
0xa: {  	[smem:$0x3FAC] =	sst s2  }
0xb: {  	[smem:$0x3FAD] =	sst s3  }
0xc: {  	[smem:$0x3FAE] =	sst s4  }
0xd: {  	[smem:$0x3FAF] =	sst s5  }
0xe: {  	[smem:$0x3FB0] =	sst s6  }
0xf: {  	[smem:$0x3FB1] =	sst s7  }
0x10: {  	[smem:$0x3FB2] =	sst s8  }
0x11: {  	[smem:$0x3FB3] =	sst s9;
	s0 =	simm.s32 @!p0 $0x0  }
0x12: {  	s1 =	sld [smem:$0x3F99];
	s0 =	simm.s32 @p0 $0x1  }
0x13: {  	[smem:$0x3FB4] =	sst s0;
	s0 =	simm.s32 @!p1 $0x0  }
0x14: {  	s2 =	sld [smem:$0x3F98];
	s0 =	simm.s32 @p1 $0x1  }
0x15: {  	[smem:$0x3FB5] =	sst s0;
	s0 =	simm.s32 @!p2 $0x0  }
0x16: {  	s3 =	sld [smem:$0x3FDB];
	s0 =	simm.s32 @p2 $0x1  }
0x17: {  	s4 =	simm.s32 $0x1BF5;
	[smem:$0x3FB7] =	sst s0  }
0x18: {  	s0 =	sld [smem:$0x3F9A];
	_ =	swait.ge [sflag:s4], $0x0  }
0x19: {  	s7 =	sld [smem:$0x3F9B]  }
0x1a: {  	s8 =	sadd.s32 $0xFFFFE003, lr  }
0x1b: {  	s9 =	sadd.s32 $0xFFFFFEF7, lr;
	s5 =	simm.s32 $0xFFFFFFFF;
	p2 =	slt.u32 s8, $0xFFFFF086  }
0x1c: {  	p1 =	slt.u32 s9, $0xF7A;
	s5 =	simm.s32 @!p2 $0x0  }
0x1d: {  	s5 =	simm.s32 @p1 $0x1;
	p0 =	seq.s32 s7, s2  }
0x1e: {  	s7 =	smul.u32 @!p0 $0xF7A, s2;
	p2 =	seq.s32 @!p0 s5, $0x0  }
0x1f: {  	s9 =	smul.u32 $0xF7A, s1;
	s8 =	simm.s32 @!p0 $0x1BF5;
	p2 =	por !p2, p0  }
0x20: {  	[sflag:s8] =	ssyncset.s32 @!p0 $0xFFFFF086;
	s6 =	sadd.s32 @!p0 s3, s7;
	s7 =	simm.s32 @!p0 $0x108  }
0x21: {  	s3 =	sadd.s32 s3, s9;
	s6 =	sadd.s32 @!p0 $0x88, s6;
	s7 =	simm.s32 @p2 $0x1082  }
0x22: {  	[simem:s7], [sflag:s8] =	dma.local @!p0 [hbm:s6], $0xF7A  }
0x23: {  	s9 =	sor.u32 $0xD0000000, s2;
	s6 =	simm.s32 $0x108;
	_ =	swait.ge @!p0 [sflag:s8], $0x0  }
0x24: {  	s3 =	sadd.s32 $0x88, s3;
	s6 =	simm.s32 @!p1 $0x1082;
	[sflag:s4] =	ssyncset.s32 $0xFFFFF086  }
0x25: {  	[simem:s6], [sflag:s4] =	dma.local [hbm:s3], $0xF7A  }
0x26: {  	[smem:$0x3F9B] =	sst s1;
	(tag) =	ssettag s2;
	_ =	strace s9  }
0x27: {  	s1 =	sld [smem:$0x3FAB]  }
0x28: {  	s2 =	sld [smem:$0x3FAC]  }
0x29: {  	s4 =	sld [smem:$0x3FAE]  }
0x2a: {  	p0 =	seq.s32 s5, $0x0;
	s5 =	sld [smem:$0x3FAF]  }
0x2b: {  	s6 =	sld [smem:$0x3FB0]  }
0x2c: {  	s7 =	sld [smem:$0x3FB1]  }
0x2d: {  	s3 =	simm.s32 $0x108;
	s8 =	sld [smem:$0x3FB2]  }
0x2e: {  	s3 =	simm.s32 @!p0 $0x1082;
	s9 =	sld [smem:$0x3FB3]  }
0x2f: {  	lr =	sadd.s32 s0, s3;
	s0 =	sld [smem:$0x3FAA]  }
0x30: {  	s3 =	sld [smem:$0x3FAD]  }
0x31: {  	[smem:$0x3FB6] =	sst s10  }
0x32: {  	s10 =	sld [smem:$0x3FB4];
	_ =	sdelay $0x3  }
0x33: {  	p0 =	seq.s32 s10, $0x1;
	s10 =	sld [smem:$0x3FB6];
	_ =	sdelay $0x3  }
0x34: {  	[smem:$0x3FB6] =	sst s10  }
0x35: {  	s10 =	sld [smem:$0x3FB5];
	_ =	sdelay $0x3  }
0x36: {  	p1 =	seq.s32 s10, $0x1;
	s10 =	sld [smem:$0x3FB6];
	_ =	sdelay $0x3  }
0x37: {  	[smem:$0x3FB6] =	sst s10  }
0x38: {  	s10 =	sld [smem:$0x3FB7]  }
0x39: {  	_ = 	snop;
	(pc) =	sbr.ind lr, $3  }
0x3a: {  	_ = 	snop  }
0x3b: {  	_ = 	snop  }
0x3c: {  	p2 =	seq.s32 s10, $0x1;
	s10 =	sld [smem:$0x3FB6]  }
0x3d: {  	_ =	shalt  }
0x3e: {  	_ =	shalt  }
0x3f: {  	_ =	shalt  }
0x40: {  	_ =	shalt  }
0x41: {  	_ =	shalt  }
0x42: {  	_ =	shalt  }
0x43: {  	_ =	shalt  }
0x44: {  	_ =	shalt  }
0x45: {  	_ =	shalt  }
0x46: {  	_ =	shalt  }
0x47: {  	_ =	shalt  }
0x48: {  	_ =	shalt  }
0x49: {  	_ =	shalt  }
0x4a: {  	_ =	shalt  }
0x4b: {  	_ =	shalt  }
0x4c: {  	_ =	shalt  }
0x4d: {  	_ =	shalt  }
0x4e: {  	_ =	shalt  }
0x4f: {  	_ =	shalt  }
0x50: {  	_ =	shalt  }
0x51: {  	_ =	shalt  }
0x52: {  	_ =	shalt  }
0x53: {  	_ =	shalt  }
0x54: {  	_ =	shalt  }
0x55: {  	_ =	shalt  }
0x56: {  	_ =	shalt  }
0x57: {  	_ =	shalt  }
0x58: {  	_ =	shalt  }
0x59: {  	_ =	shalt  }
0x5a: {  	_ =	shalt  }
0x5b: {  	_ =	shalt  }
0x5c: {  	_ =	shalt  }
0x5d: {  	_ =	shalt  }
0x5e: {  	_ =	shalt  }
0x5f: {  	_ =	shalt  }
0x60: {  	_ =	shalt  }
0x61: {  	_ =	shalt  }
0x62: {  	_ =	shalt  }
0x63: {  	_ =	shalt  }
0x64: {  	_ =	shalt  }
0x65: {  	_ =	shalt  }
0x66: {  	_ =	shalt  }
0x67: {  	_ =	shalt  }
0x68: {  	_ =	shalt  }
0x69: {  	_ =	shalt  }
0x6a: {  	_ =	shalt  }
0x6b: {  	_ =	shalt  }
0x6c: {  	_ =	shalt  }
0x6d: {  	_ =	shalt  }
0x6e: {  	_ =	shalt  }
0x6f: {  	_ =	shalt  }
0x70: {  	_ =	shalt  }
0x71: {  	_ =	shalt  }
0x72: {  	_ =	shalt  }
0x73: {  	_ =	shalt  }
0x74: {  	_ =	shalt  }
0x75: {  	_ =	shalt  }
0x76: {  	_ =	shalt  }
0x77: {  	_ =	shalt  }
0x78: {  	_ =	shalt  }
0x79: {  	_ =	shalt  }
0x7a: {  	_ =	shalt  }
0x7b: {  	_ =	shalt  }
0x7c: {  	_ =	shalt  }
0x7d: {  	_ =	shalt  }
0x7e: {  	_ =	shalt  }
0x7f: {  	_ =	shalt  }
0x80: {  	_ =	shalt  }
0x81: {  	_ =	shalt  }
0x82: {  	_ =	shalt  }
0x83: {  	_ =	shalt  }
0x84: {  	_ =	shalt  }
0x85: {  	_ =	shalt  }
0x86: {  	_ =	shalt  }
0x87: {  	_ =	shalt  }
.Lfunc_end0:
.L_simem_size_0:
called_computation.1_lowered:
.L_overlay_start_0:
0x88: {  	s2 =	sld [smem:$0x3FD9]  }
0x89: {  	s3 =	sld [smem:$0x3FFE];
	_ =	sdelay $0x1  }
0x8a: {  	s1 =	srdreg.scid  }
0x8b: {  	s0 =	sand.u32 $0x1, s1  }
0x8c: {  	s17 =	sshll.u32 s0, $0xA;
	s2 =	sadd.s32 s3, s2  }
0x8d: {  	s2 =	sadd.s32 s2, s17  }
0x8e: {  	[smem:$0x3FC2] =	sst s2  }
0x8f: {  	_ = 	snop  }
0x90: {  	s2 =	sld [smem:$0x3FD0];
	(tm) =	ssettm $0x1  }
0x91: {  	s18 =	sld [smem:$0x3FFB];
	_ =	sdelay $0x3  }
0x92: {  	_ =	strace s18  }
0x93: {  	s3 =	sld [smem:$0x3FFC];
	_ =	sdelay $0x3  }
0x94: {  	_ =	strace s3  }
0x95: {  	s3 =	sld [smem:$0x3FFD];
	_ =	sdelay $0x3  }
0x96: {  	_ =	strace s3  }
0x97: {  	_ =	strace $0x8FFFFFFF  }
0x98: {  	s19 =	sld [smem:$0x3FDB];
	_ =	sdelay $0x1  }
0x99: {  	s4 =	simm.s32 $_scs_section_size  }
0x9a: {  	s5 =	simm.s32 $_size__tile_overlayer_lowered;
	s6 =	simm.s32 $_tile_overlayer_lowered  }
0x9b: {  	s22 =	simm.s32 $0x1BFF;
	s21 =	sshll.u32 s6, $0x1;
	s3 =	sadd.s32 s4, s19  }
0x9c: {  	s7 =	simm.s32 $0x0;
	s20 =	sshll.u32 s5, $0x1;
	s5 =	sadd.s32 s21, s3  }
0x9d: {  	[timem:s7], [sflag:s22] =	dma.local [hbm:s5], s20  }
0x9e: {  	_ =	swait.ge [sflag:s22], s20  }
0x9f: {  	s4 =	ssub.s32 $0x0, s20;
	[sflag:s22] =	ssyncset.done $0x0  }
0xa0: {  	[sflag:s22] =	ssyncadd.s32 s4;
	_ =	sdelay $0x1  }
0xa1: {  	s23 =	simm.s32 $0x1B8B  }
0xa2: {  	_ =	swait.ge [sflag:s23], $0x1  }
0xa3: {  	[sflag:s23] =	ssyncset.done $0x0  }
0xa4: {  	s25 =	simm.s32 $0x1B8E;
	s24 =	sld [smem:$0x3FFE];
	[sflag:s23] =	ssyncadd.s32 $0xFFFFFFFF  }
0xa5: {  	s26 =	simm.s32 $execute0_lowered;
	[smem:$0x3FD2] =	sst s25  }
0xa6: {  	s5 =	sshll.u32 s26, $0x1;
	_ =	strace $0x80000049;
	[dreg:$0x1] =	wrdreg $0xFFFFFFFF  }
0xa7: {  	s28 =	simm.s32 $_size_execute0_lowered;
	s3 =	sadd.s32 s3, s5;
	[dreg:$0x0] =	wrdreg $0x0  }
0xa8: {  	s5 =	sshll.u32 s28, $0x1;
	[dreg:$0x2] =	wrdreg s3  }
0xa9: {  	[dreg:$0x3] =	wrdreg s5  }
0xaa: {  	[dreg:$0x4] =	wrdreg $0xC0  }
0xab: {  	_ =	task [dreg:s7], $0x5FFFF  }
0xac: {  	[dreg:$0x1] =	wrdreg $0xFFFFFFFF  }
0xad: {  	[dreg:$0x0] =	wrdreg $0x60  }
0xae: {  	[dreg:$0x2] =	wrdreg s24  }
0xaf: {  	[dreg:$0x3] =	wrdreg s2  }
0xb0: {  	[dreg:$0x4] =	wrdreg $0xA8000  }
0xb1: {  	[dreg:$0x5] =	wrdreg $0x9  }
0xb2: {  	_ =	task.clear_ibuf [dreg:s7], $0x6FFFF;
	_ =	strace $0x90000049  }
0xb3: {  	s29 =	simm.s32 $0x9;
	_ =	strace $0x8000004B  }
0xb4: {  	_ =	swait.ge [sflag:s29], $0x1  }
0xb5: {  	[sflag:s29] =	ssyncadd.s32 $0xFFFFFFFF  }
0xb6: {  	_ =	strace $0x9000004B  }
0xb7: {  	_ =	sfence  }
0xb8: {  	s30 =	sld [smem:$0x0];
	_ =	sdelay $0x2  }
0xb9: {  	s31 =	sshll.u32 s1, $0xD;
	s1 =	sshrl.u32 s1, $0x2  }
0xba: {  	s3 =	sand.u32 $0x4000, s31;
	s1 =	sadd.s32 s1, s30  }
0xbb: {  	s0 =	sor.u32 s3, s0;
	s1 =	sshll.u32 s1, $0x11  }
0xbc: {  	s0 =	sor.u32 s1, s0  }
0xbd: {  	s0 =	sadd.s32 $0x8F2B, s0  }
0xbe: {  	[sflag:s0] =	ssyncadd.remote.s32 $0x1  }
0xbf: {  	_ =	sfence.sel $0xFFFF  }
0xc0: {  	[dreg:$0x0] =	wrdreg $0xFFFFFFFF;
	(pc) =	sbr.abs _section_cstart, $3  }
0xc1: {  	[dreg:$0x1] =	wrdreg $0xFFFFFFFF  }
0xc2: {  	_ =	task.clear_ibuf [dreg:s7], $0x2FFFF;
	_ =	strace $0x9FFFFFFF  }
0xc3: {  	(tm) =	ssettm $0x7FFFFFFF  }
tec
execute0_lowered:
.L_overlay_start_1:
0x0: {  	(tag) =	ssettag $0x1  }
0x1: {  	s5 =	rddreg [dreg:$0x0]  }
0x2: {  	s6 =	rddreg [dreg:$0x1]  }
0x3: {  	s2 =	rddreg [dreg:$0x2];
	s1 =	stileid.u32  }
0x4: {  	s4 =	srdreg.scid;
	s3 =	simm.s32 $0x0;
	s14 =	simm.s32 $0x7D  }
0x5: {  	s15 =	simm.s32 $0x2800;
	s16 =	simm.s32 $0x80;
	s17 =	simm.s32 $0x6800  }
0x6: {  	s20 =	simm.s32 $0x1;
	s21 =	simm.s32 $0x2;
	s22 =	simm.s32 $0x2600  }
0x7: {  	s23 =	simm.s32 $0x1300;
	s24 =	simm.s32 $0x2680;
	s25 =	simm.s32 $0x1380  }
0x8: {  	s26 =	simm.s32 $0x2700;
	s28 =	simm.s32 $0x2780;
	s29 =	simm.s32 $0x0  }
0x9: {  	s7 =	smul.u32 $0x14000, s1;
	s8 =	sand.u32 $0x1, s4;
	[smem:$0x7FF] =	sst s3  }
0xa: {  	s9 =	sshll.u32 s1, $0x1;
	s11 =	smul.u32 $0x50000, s1;
	s18 =	sshll.u32 s1, $0x6  }
0xb: {  	s4 =	smul.u32 $0x140000, s8;
	_ =	strace $0x8000004A;
	s9 =	sor.u32 s8, s9  }
0xc: {  	s8 =	ssub.s32 $0x2, s8;
	s18 =	sor.u32 $0x1C03, s18;
	s10 =	sshrl.u32 s7, $0x3  }
0xd: {  	s9 =	smul.u32 $0x2800, s9;
	s30 =	sshrl.u32 s8, $0x1;
	s31 =	sshrl.u32 s11, $0x2  }
0xe: {  	s7 =	sadd.s32 s7, s4;
	s4 =	sadd.s32 $0x2C00, s5;
	s10 =	sadd.s32 s10, s5  }
0xf: {  	s13 =	ssub.s32 s8, s30;
	s19 =	sadd.s32 s31, s2;
	s7 =	sshrl.u32 s7, $0x3  }
0x10: {  	s9 =	sshrl.u32 s9, $0x3;
	s11 =	smax.u32 s13, $0x1;
	s13 =	simm.s32 $0x1400  }
0x11: {  	s19 =	sshrl.u32 s19, $0x3;
	s12 =	sadd.s32 s7, s5;
	s5 =	sadd.s32 s6, s9  }
0x12: {  	s7 =	sadd.s32 $0x2AC00, s10;
	s6 =	sadd.s32 $0xA000, s5;
	s8 =	sadd.s32 $0x280, s5  }
0x13: {  	s9 =	sadd.s32 $0xA280, s5;
	s10 =	sadd.s32 $0x52C00, s12;
	s12 =	simm.s32 $0x3  }
.LBB2_1:
0x14: {  	[tilespmem:s3], [sflag:$0x3] =	stream.linear.gather [hbm4b:s5+s3], $0x1400, $0x38;
	[tilespmem:$0x1E800] =	vst v63  }
0x15: {  	_ =	swait.ge [sflag:s12], $0x1400  }
0x16: {  	[sflag:s12] =	ssyncset.done $0x0  }
0x17: {  	[sflag:s12] =	ssyncadd.s32 $0xFFFFEC00  }
0x18: {  	[tilespmem:s13], [sflag:$0x3] =	stream.linear.gather [hbm4b:s6+s3], $0x1400, $0x38;
	[tilespmem:$0x1E800] =	vst v63  }
0x19: {  	_ =	swait.ge [sflag:s12], $0x1400  }
0x1a: {  	[sflag:s12] =	ssyncset.done $0x0  }
0x1b: {  	[sflag:s12] =	ssyncadd.s32 $0xFFFFEC00  }
0x1c: {  	[tilespmem:s15], [sflag:$0x1] =	stream.indirect.gather [hbm4b:s4+s14], $0x80, s3, s14, $0xb8;
	[tilespmem:$0x1E800] =	vst v63  }
0x1d: {  	_ = 	snop  }
0x1e: {  	[tilespmem:s17], [sflag:$0x2] =	stream.indirect.gather [hbm4b:s4+s14], $0x80, s16, s14, $0xb8;
	[tilespmem:$0x1E800] =	vst v63  }
0x1f: {  	[spmem:s19], [sflag:s18] =	dma.local [hbm:s7], $0x2800  }
0x20: {  	_ =	swait.ge [sflag:s12], $0x2800  }
0x21: {  	[sflag:s12] =	ssyncset.done $0x0  }
0x22: {  	[sflag:s12] =	ssyncadd.s32 $0xFFFFD800  }
0x23: {  	[bflag:$0x0] =	sbarrier.arrive $0xFFFF  }
0x24: {  	_ =	swait.ge [sflag:s20], $0x3E80  }
0x25: {  	[sflag:s20] =	ssyncset.done $0x0  }
0x26: {  	s30 =	simm.s32 $0x1400;
	[sflag:s20] =	ssyncadd.s32 $0xFFFFC180  }
0x27: {  	[spmem:s2] =	stream.indirect.scatter.add.f32 [tilespmem:s15], [sflag:$0x3], $0x80, s30, s14, $0xb8;
	[tilespmem:$0x1E800] =	vst v63  }
0x28: {  	_ =	swait.ge [sflag:s12], $0x3E80  }
0x29: {  	[sflag:s12] =	ssyncset.done $0x0  }
0x2a: {  	s30 =	simm.s32 $0x100;
	[sflag:s12] =	ssyncadd.s32 $0xFFFFC180  }
0x2b: {  	[tilespmem:s15], [sflag:$0x1] =	stream.indirect.gather [hbm4b:s4+s14], $0x80, s30, s14, $0xb8;
	[tilespmem:$0x1E800] =	vst v63  }
0x2c: {  	_ =	swait.ge [sflag:s21], $0x3E80  }
0x2d: {  	[sflag:s21] =	ssyncset.done $0x0  }
0x2e: {  	s30 =	simm.s32 $0x1480;
	[sflag:s21] =	ssyncadd.s32 $0xFFFFC180  }
0x2f: {  	[spmem:s2] =	stream.indirect.scatter.add.f32 [tilespmem:s17], [sflag:$0x3], $0x80, s30, s14, $0xb8;
	[tilespmem:$0x1E800] =	vst v63  }
0x30: {  	_ =	swait.ge [sflag:s12], $0x3E80  }
0x31: {  	[sflag:s12] =	ssyncset.done $0x0  }
0x32: {  	s31 =	simm.s32 $0x180;
	s30 =	simm.s32 $0x400;
	[sflag:s12] =	ssyncadd.s32 $0xFFFFC180  }
.LBB2_2:
0x33: {  	[tilespmem:s17], [sflag:$0x2] =	stream.indirect.gather [hbm4b:s4+s14], $0x80, s31, s14, $0xb8;
	[tilespmem:$0x1E800] =	vst v63  }
0x34: {  	s31 =	smov.u32 s30  }
0x35: {  	p0 =	sne.s32 s30, $0x4400;
	s30 =	sadd.s32 $0x400, s30;
	_ =	swait.ge [sflag:s20], $0x3E80  }
0x36: {  	s31 =	sshra.s32 s31, $0x2;
	[sflag:s20] =	ssyncset.done $0x0  }
0x37: {  	s0 =	sadd.s32 $0x1400, s31;
	[sflag:s20] =	ssyncadd.s32 $0xFFFFC180  }
0x38: {  	[spmem:s2] =	stream.indirect.scatter.add.f32 [tilespmem:s15], [sflag:$0x3], $0x80, s0, s14, $0xb8;
	[tilespmem:$0x1E800] =	vst v63  }
0x39: {  	_ =	swait.ge [sflag:s12], $0x3E80  }
0x3a: {  	[sflag:s12] =	ssyncset.done $0x0  }
0x3b: {  	s0 =	sadd.s32 $0x100, s31;
	[sflag:s12] =	ssyncadd.s32 $0xFFFFC180  }
0x3c: {  	[tilespmem:s15], [sflag:$0x1] =	stream.indirect.gather [hbm4b:s4+s14], $0x80, s0, s14, $0xb8;
	[tilespmem:$0x1E800] =	vst v63  }
0x3d: {  	_ =	swait.ge [sflag:s21], $0x3E80  }
0x3e: {  	[sflag:s21] =	ssyncset.done $0x0  }
.Ltmp0:
0x3f: {  	s0 =	sadd.s32 $0x1480, s31;
	[sflag:s21] =	ssyncadd.s32 $0xFFFFC180;
	(pc) =	sbr.rel @p0 .LBB2_2-.Ltmp0, $4  }
0x40: {  	[spmem:s2] =	stream.indirect.scatter.add.f32 [tilespmem:s17], [sflag:$0x3], $0x80, s0, s14, $0xb8;
	[tilespmem:$0x1E800] =	vst v63  }
0x41: {  	_ =	swait.ge [sflag:s12], $0x3E80  }
0x42: {  	[sflag:s12] =	ssyncset.done $0x0  }
0x43: {  	s31 =	sadd.s32 $0x180, s31;
	[sflag:s12] =	ssyncadd.s32 $0xFFFFC180  }
0x44: {  	[tilespmem:s17], [sflag:$0x2] =	stream.indirect.gather [hbm4b:s4+s14], $0x80, s31, s14, $0xb8;
	[tilespmem:$0x1E800] =	vst v63  }
0x45: {  	_ =	swait.ge [sflag:s20], $0x3E80  }
0x46: {  	[sflag:s20] =	ssyncset.done $0x0  }
0x47: {  	[sflag:s20] =	ssyncadd.s32 $0xFFFFC180  }
0x48: {  	[spmem:s2] =	stream.indirect.scatter.add.f32 [tilespmem:s15], [sflag:$0x3], $0x80, s22, s14, $0xb8;
	[tilespmem:$0x1E800] =	vst v63  }
0x49: {  	_ =	swait.ge [sflag:s12], $0x3E80  }
0x4a: {  	[sflag:s12] =	ssyncset.done $0x0  }
0x4b: {  	[sflag:s12] =	ssyncadd.s32 $0xFFFFC180  }
0x4c: {  	[tilespmem:s15], [sflag:$0x1] =	stream.indirect.gather [hbm4b:s4+s14], $0x80, s23, s14, $0xb8;
	[tilespmem:$0x1E800] =	vst v63  }
0x4d: {  	_ =	swait.ge [sflag:s21], $0x3E80  }
0x4e: {  	[sflag:s21] =	ssyncset.done $0x0  }
0x4f: {  	[sflag:s21] =	ssyncadd.s32 $0xFFFFC180  }
0x50: {  	[spmem:s2] =	stream.indirect.scatter.add.f32 [tilespmem:s17], [sflag:$0x3], $0x80, s24, s14, $0xb8;
	[tilespmem:$0x1E800] =	vst v63  }
0x51: {  	_ =	swait.ge [sflag:s12], $0x3E80  }
0x52: {  	[sflag:s12] =	ssyncset.done $0x0  }
0x53: {  	[sflag:s12] =	ssyncadd.s32 $0xFFFFC180  }
0x54: {  	[tilespmem:s17], [sflag:$0x2] =	stream.indirect.gather [hbm4b:s4+s14], $0x80, s25, s14, $0xb8;
	[tilespmem:$0x1E800] =	vst v63  }
0x55: {  	_ =	swait.ge [sflag:s20], $0x3E80  }
0x56: {  	[sflag:s20] =	ssyncset.done $0x0  }
0x57: {  	[sflag:s20] =	ssyncadd.s32 $0xFFFFC180  }
0x58: {  	[spmem:s2] =	stream.indirect.scatter.add.f32 [tilespmem:s15], [sflag:$0x3], $0x80, s26, s14, $0xb8;
	[tilespmem:$0x1E800] =	vst v63  }
0x59: {  	_ =	swait.ge [sflag:s12], $0x3E80  }
0x5a: {  	[sflag:s12] =	ssyncset.done $0x0  }
0x5b: {  	[sflag:s12] =	ssyncadd.s32 $0xFFFFC180  }
0x5c: {  	[tilespmem:s15], [sflag:$0x1] =	stream.indirect.gather [hbm4b:s4+s14], $0x80, s25, s14, $0xb8;
	[tilespmem:$0x1E800] =	vst v63  }
0x5d: {  	_ =	swait.ge [sflag:s21], $0x3E80  }
0x5e: {  	[sflag:s21] =	ssyncset.done $0x0  }
0x5f: {  	[sflag:s21] =	ssyncadd.s32 $0xFFFFC180  }
0x60: {  	[spmem:s2] =	stream.indirect.scatter.add.f32 [tilespmem:s17], [sflag:$0x3], $0x80, s28, s14, $0xb8;
	[tilespmem:$0x1E800] =	vst v63  }
0x61: {  	_ =	swait.ge [sflag:s12], $0x3E80  }
0x62: {  	[sflag:s12] =	ssyncset.done $0x0  }
0x63: {  	[sflag:s12] =	ssyncadd.s32 $0xFFFFC180  }
0x64: {  	[tilespmem:s17], [sflag:$0x2] =	stream.indirect.gather [hbm4b:s4+s14], $0x80, s25, s14, $0xb8;
	[tilespmem:$0x1E800] =	vst v63  }
0x65: {  	_ =	swait.ge [sflag:s20], $0x3E80  }
0x66: {  	[sflag:s20] =	ssyncset.done $0x0  }
0x67: {  	[sflag:s20] =	ssyncadd.s32 $0xFFFFC180  }
0x68: {  	_ =	swait.ge [sflag:s21], $0x3E80  }
0x69: {  	[sflag:s21] =	ssyncset.done $0x0  }
0x6a: {  	s0 =	simm.s32 $0x0;
	[sflag:s21] =	ssyncadd.s32 $0xFFFFC180  }
0x6b: {  	[tilespmem:s0], [sflag:$0x3] =	stream.linear.gather [hbm4b:s8+s0], $0x1400, $0x38;
	[tilespmem:$0x1E800] =	vst v63  }
0x6c: {  	_ =	swait.ge [sflag:s12], $0x1400  }
0x6d: {  	[sflag:s12] =	ssyncset.done $0x0  }
0x6e: {  	[sflag:s12] =	ssyncadd.s32 $0xFFFFEC00  }
0x6f: {  	[tilespmem:s13], [sflag:$0x3] =	stream.linear.gather [hbm4b:s9+s0], $0x1400, $0x38;
	[tilespmem:$0x1E800] =	vst v63  }
0x70: {  	_ =	swait.ge [sflag:s12], $0x1400  }
0x71: {  	[sflag:s12] =	ssyncset.done $0x0  }
0x72: {  	[sflag:s12] =	ssyncadd.s32 $0xFFFFEC00  }
0x73: {  	[tilespmem:s15], [sflag:$0x1] =	stream.indirect.gather [hbm4b:s4+s14], $0x80, s0, s14, $0xb8;
	[tilespmem:$0x1E800] =	vst v63  }
0x74: {  	_ = 	snop  }
0x75: {  	[tilespmem:s17], [sflag:$0x2] =	stream.indirect.gather [hbm4b:s4+s14], $0x80, s16, s14, $0xb8;
	[tilespmem:$0x1E800] =	vst v63  }
0x76: {  	_ =	swait.ge [sflag:s20], $0x3E80  }
0x77: {  	[sflag:s20] =	ssyncset.done $0x0  }
0x78: {  	s0 =	simm.s32 $0x1400;
	[sflag:s20] =	ssyncadd.s32 $0xFFFFC180  }
0x79: {  	[spmem:s2] =	stream.indirect.scatter.add.f32 [tilespmem:s15], [sflag:$0x3], $0x80, s0, s14, $0xb8;
	[tilespmem:$0x1E800] =	vst v63  }
0x7a: {  	_ =	swait.ge [sflag:s12], $0x3E80  }
0x7b: {  	[sflag:s12] =	ssyncset.done $0x0  }
0x7c: {  	s0 =	simm.s32 $0x100;
	[sflag:s12] =	ssyncadd.s32 $0xFFFFC180  }
0x7d: {  	[tilespmem:s15], [sflag:$0x1] =	stream.indirect.gather [hbm4b:s4+s14], $0x80, s0, s14, $0xb8;
	[tilespmem:$0x1E800] =	vst v63  }
0x7e: {  	_ =	swait.ge [sflag:s21], $0x3E80  }
0x7f: {  	[sflag:s21] =	ssyncset.done $0x0  }
0x80: {  	s0 =	simm.s32 $0x1480;
	[sflag:s21] =	ssyncadd.s32 $0xFFFFC180  }
0x81: {  	[spmem:s2] =	stream.indirect.scatter.add.f32 [tilespmem:s17], [sflag:$0x3], $0x80, s0, s14, $0xb8;
	[tilespmem:$0x1E800] =	vst v63  }
0x82: {  	_ =	swait.ge [sflag:s12], $0x3E80  }
0x83: {  	[sflag:s12] =	ssyncset.done $0x0  }
0x84: {  	s30 =	simm.s32 $0x400;
	s31 =	simm.s32 $0x180;
	[sflag:s12] =	ssyncadd.s32 $0xFFFFC180  }
.LBB2_4:
0x85: {  	[tilespmem:s17], [sflag:$0x2] =	stream.indirect.gather [hbm4b:s4+s14], $0x80, s31, s14, $0xb8;
	[tilespmem:$0x1E800] =	vst v63  }
0x86: {  	s0 =	smov.u32 s30  }
0x87: {  	p0 =	sne.s32 s30, $0x4400;
	s30 =	sadd.s32 $0x400, s30;
	_ =	swait.ge [sflag:s20], $0x3E80  }
0x88: {  	s0 =	sshra.s32 s0, $0x2;
	[sflag:s20] =	ssyncset.done $0x0  }
0x89: {  	s31 =	sadd.s32 $0x1400, s0;
	[sflag:s20] =	ssyncadd.s32 $0xFFFFC180  }
0x8a: {  	[spmem:s2] =	stream.indirect.scatter.add.f32 [tilespmem:s15], [sflag:$0x3], $0x80, s31, s14, $0xb8;
	[tilespmem:$0x1E800] =	vst v63  }
0x8b: {  	_ =	swait.ge [sflag:s12], $0x3E80  }
0x8c: {  	[sflag:s12] =	ssyncset.done $0x0  }
0x8d: {  	s31 =	sadd.s32 $0x100, s0;
	[sflag:s12] =	ssyncadd.s32 $0xFFFFC180  }
0x8e: {  	[tilespmem:s15], [sflag:$0x1] =	stream.indirect.gather [hbm4b:s4+s14], $0x80, s31, s14, $0xb8;
	[tilespmem:$0x1E800] =	vst v63  }
0x8f: {  	_ =	swait.ge [sflag:s21], $0x3E80  }
0x90: {  	[sflag:s21] =	ssyncset.done $0x0  }
.Ltmp1:
0x91: {  	s31 =	sadd.s32 $0x1480, s0;
	[sflag:s21] =	ssyncadd.s32 $0xFFFFC180;
	(pc) =	sbr.rel @p0 .LBB2_4-.Ltmp1, $4  }
0x92: {  	[spmem:s2] =	stream.indirect.scatter.add.f32 [tilespmem:s17], [sflag:$0x3], $0x80, s31, s14, $0xb8;
	[tilespmem:$0x1E800] =	vst v63  }
0x93: {  	_ =	swait.ge [sflag:s12], $0x3E80  }
0x94: {  	[sflag:s12] =	ssyncset.done $0x0  }
0x95: {  	s31 =	sadd.s32 $0x180, s0;
	[sflag:s12] =	ssyncadd.s32 $0xFFFFC180  }
0x96: {  	[tilespmem:s17], [sflag:$0x2] =	stream.indirect.gather [hbm4b:s4+s14], $0x80, s31, s14, $0xb8;
	[tilespmem:$0x1E800] =	vst v63  }
0x97: {  	_ =	swait.ge [sflag:s20], $0x3E80  }
0x98: {  	[sflag:s20] =	ssyncset.done $0x0  }
0x99: {  	[sflag:s20] =	ssyncadd.s32 $0xFFFFC180  }
0x9a: {  	[spmem:s2] =	stream.indirect.scatter.add.f32 [tilespmem:s15], [sflag:$0x3], $0x80, s22, s14, $0xb8;
	[tilespmem:$0x1E800] =	vst v63  }
0x9b: {  	_ =	swait.ge [sflag:s12], $0x3E80  }
0x9c: {  	[sflag:s12] =	ssyncset.done $0x0  }
0x9d: {  	[sflag:s12] =	ssyncadd.s32 $0xFFFFC180  }
0x9e: {  	[tilespmem:s15], [sflag:$0x1] =	stream.indirect.gather [hbm4b:s4+s14], $0x80, s23, s14, $0xb8;
	[tilespmem:$0x1E800] =	vst v63  }
0x9f: {  	_ =	swait.ge [sflag:s21], $0x3E80  }
0xa0: {  	[sflag:s21] =	ssyncset.done $0x0  }
0xa1: {  	[sflag:s21] =	ssyncadd.s32 $0xFFFFC180  }
0xa2: {  	[spmem:s2] =	stream.indirect.scatter.add.f32 [tilespmem:s17], [sflag:$0x3], $0x80, s24, s14, $0xb8;
	[tilespmem:$0x1E800] =	vst v63  }
0xa3: {  	_ =	swait.ge [sflag:s12], $0x3E80  }
0xa4: {  	[sflag:s12] =	ssyncset.done $0x0  }
0xa5: {  	[sflag:s12] =	ssyncadd.s32 $0xFFFFC180  }
0xa6: {  	[tilespmem:s17], [sflag:$0x2] =	stream.indirect.gather [hbm4b:s4+s14], $0x80, s25, s14, $0xb8;
	[tilespmem:$0x1E800] =	vst v63  }
0xa7: {  	_ =	swait.ge [sflag:s20], $0x3E80  }
0xa8: {  	[sflag:s20] =	ssyncset.done $0x0  }
0xa9: {  	[sflag:s20] =	ssyncadd.s32 $0xFFFFC180  }
0xaa: {  	[spmem:s2] =	stream.indirect.scatter.add.f32 [tilespmem:s15], [sflag:$0x3], $0x80, s26, s14, $0xb8;
	[tilespmem:$0x1E800] =	vst v63  }
0xab: {  	_ =	swait.ge [sflag:s12], $0x3E80  }
0xac: {  	[sflag:s12] =	ssyncset.done $0x0  }
0xad: {  	[sflag:s12] =	ssyncadd.s32 $0xFFFFC180  }
0xae: {  	[tilespmem:s15], [sflag:$0x1] =	stream.indirect.gather [hbm4b:s4+s14], $0x80, s25, s14, $0xb8;
	[tilespmem:$0x1E800] =	vst v63  }
0xaf: {  	_ =	swait.ge [sflag:s21], $0x3E80  }
0xb0: {  	[sflag:s21] =	ssyncset.done $0x0  }
0xb1: {  	[sflag:s21] =	ssyncadd.s32 $0xFFFFC180  }
0xb2: {  	[spmem:s2] =	stream.indirect.scatter.add.f32 [tilespmem:s17], [sflag:$0x3], $0x80, s28, s14, $0xb8;
	[tilespmem:$0x1E800] =	vst v63  }
0xb3: {  	_ =	swait.ge [sflag:s12], $0x3E80  }
0xb4: {  	[sflag:s12] =	ssyncset.done $0x0  }
0xb5: {  	[sflag:s12] =	ssyncadd.s32 $0xFFFFC180  }
0xb6: {  	[tilespmem:s17], [sflag:$0x2] =	stream.indirect.gather [hbm4b:s4+s14], $0x80, s25, s14, $0xb8;
	[tilespmem:$0x1E800] =	vst v63  }
0xb7: {  	_ =	swait.ge [sflag:s20], $0x3E80  }
0xb8: {  	[sflag:s20] =	ssyncset.done $0x0  }
0xb9: {  	[sflag:s20] =	ssyncadd.s32 $0xFFFFC180  }
0xba: {  	_ =	swait.ge [sflag:s21], $0x3E80  }
0xbb: {  	s29 =	sadd.s32 $0x1, s29;
	[sflag:s21] =	ssyncset.done $0x0  }
0xbc: {  	p0 =	sne.s32 s29, s11;
	[sflag:s21] =	ssyncadd.s32 $0xFFFFC180  }
.Ltmp2:
0xbd: {  	[bflag:$0x0] =	sbarrier.arrive $0xFFFF;
	(pc) =	sbr.rel @p0 .LBB2_1-.Ltmp2, $4  }
0xbe: {  	[hbm:s10], [sflag:s18] =	dma.local [spmem:s19], $0x2800  }
0xbf: {  	_ =	swait.ge [sflag:s12], $0x2800  }
0xc0: {  	[sflag:s12] =	ssyncset.done $0x0  }
0xc1: {  	[sflag:s12] =	ssyncadd.s32 $0xFFFFD800  }
0xc2: {  	_ =	sfence.sel $0x180000  }
0xc3: {  	[bflag:$0x0] =	sbarrier.arrive $0xFFFF  }
0xc4: {  	_ =	strace $0x9000004A  }
0xc5: {  	[bflag:$0x2] =	sbarrier.arrive $0xFFFF  }
0xc6: {  	p0 =	sne.s32 s1, $0x0;
	s0 =	rddreg [dreg:$0x3]  }
0xc7: {  	s0 =	sadd.s32 @!p0 $0x100000, s0  }
0xc8: {  	[sflag:s0] =	ssyncadd.tile.s32 @!p0 $0x1;
	_ =	shalt  }
.Lfunc_end2:
_tile_overlayer_lowered:
.L_overlay_start_2:
0xc9: {  	(tag) =	ssettag $0x2  }
0xca: {  	s0 =	rddreg [dreg:$0x0];
	s2 =	stileid.u32  }
0xcb: {  	s1 =	rddreg [dreg:$0x1];
	p0 =	sne.s32 s2, $0x0  }
0xcc: {  	s3 =	rddreg [dreg:$0x2];
	[bflag:$0x3] =	sbarrier.arrive $0xFFFF;
	s2 =	simm.s32 @!p0 $0x1C03  }
0xcd: {  	[timem:s3], [sflag:s2] =	dma.local @!p0 [hbm:s0], s1  }
0xce: {  	s0 =	simm.s32 @!p0 $0x3  }
0xcf: {  	_ =	swait.ge @!p0 [sflag:s0], s1  }
0xd0: {  	s1 =	ssub.s32 @!p0 $0x0, s1;
	[sflag:s0] =	ssyncset.done @!p0 $0x0  }
0xd1: {  	[sflag:s0] =	ssyncadd.s32 @!p0 s1  }
0xd2: {  	[bflag:$0x3] =	sbarrier.arrive $0xFFFF  }
0xd3: {  	_ =	shalt  }

// kernel: kernel.14.cloned.1.call-start
scs
__scs_entry_jumppad:
0x0: {  	(pc) =	sbr.rel $0x88, $3  }
0x1: {  	(tag) =	ssettag $0x0;
	lr =	simm.s32 $0x1  }
0x2: {  	[smem:$0x3F9B] =	sst lr;
	_ =	strace $0xD0000000  }
0x3: {  	_ = 	snop  }
0x4: {  	_ = 	snop  }
0x5: {  	_ = 	snop  }
0x6: {  	_ = 	snop  }
0x7: {  	_ = 	snop  }
__scs_overlays_trampoline_lowered:
0x8: {  	[smem:$0x3FAA] =	sst s0  }
0x9: {  	[smem:$0x3FAB] =	sst s1  }
0xa: {  	[smem:$0x3FAC] =	sst s2  }
0xb: {  	[smem:$0x3FAD] =	sst s3  }
0xc: {  	[smem:$0x3FAE] =	sst s4  }
0xd: {  	[smem:$0x3FAF] =	sst s5  }
0xe: {  	[smem:$0x3FB0] =	sst s6  }
0xf: {  	[smem:$0x3FB1] =	sst s7  }
0x10: {  	[smem:$0x3FB2] =	sst s8  }
0x11: {  	[smem:$0x3FB3] =	sst s9;
	s0 =	simm.s32 @!p0 $0x0  }
0x12: {  	s1 =	sld [smem:$0x3F99];
	s0 =	simm.s32 @p0 $0x1  }
0x13: {  	[smem:$0x3FB4] =	sst s0;
	s0 =	simm.s32 @!p1 $0x0  }
0x14: {  	s2 =	sld [smem:$0x3F98];
	s0 =	simm.s32 @p1 $0x1  }
0x15: {  	[smem:$0x3FB5] =	sst s0;
	s0 =	simm.s32 @!p2 $0x0  }
0x16: {  	s3 =	sld [smem:$0x3FDB];
	s0 =	simm.s32 @p2 $0x1  }
0x17: {  	s4 =	simm.s32 $0x1BF5;
	[smem:$0x3FB7] =	sst s0  }
0x18: {  	s0 =	sld [smem:$0x3F9A];
	_ =	swait.ge [sflag:s4], $0x0  }
0x19: {  	s7 =	sld [smem:$0x3F9B]  }
0x1a: {  	s8 =	sadd.s32 $0xFFFFE003, lr  }
0x1b: {  	s9 =	sadd.s32 $0xFFFFFEF7, lr;
	s5 =	simm.s32 $0xFFFFFFFF;
	p2 =	slt.u32 s8, $0xFFFFF086  }
0x1c: {  	p1 =	slt.u32 s9, $0xF7A;
	s5 =	simm.s32 @!p2 $0x0  }
0x1d: {  	s5 =	simm.s32 @p1 $0x1;
	p0 =	seq.s32 s7, s2  }
0x1e: {  	s7 =	smul.u32 @!p0 $0xF7A, s2;
	p2 =	seq.s32 @!p0 s5, $0x0  }
0x1f: {  	s9 =	smul.u32 $0xF7A, s1;
	s8 =	simm.s32 @!p0 $0x1BF5;
	p2 =	por !p2, p0  }
0x20: {  	[sflag:s8] =	ssyncset.s32 @!p0 $0xFFFFF086;
	s6 =	sadd.s32 @!p0 s3, s7;
	s7 =	simm.s32 @!p0 $0x108  }
0x21: {  	s3 =	sadd.s32 s3, s9;
	s6 =	sadd.s32 @!p0 $0x88, s6;
	s7 =	simm.s32 @p2 $0x1082  }
0x22: {  	[simem:s7], [sflag:s8] =	dma.local @!p0 [hbm:s6], $0xF7A  }
0x23: {  	s9 =	sor.u32 $0xD0000000, s2;
	s6 =	simm.s32 $0x108;
	_ =	swait.ge @!p0 [sflag:s8], $0x0  }
0x24: {  	s3 =	sadd.s32 $0x88, s3;
	s6 =	simm.s32 @!p1 $0x1082;
	[sflag:s4] =	ssyncset.s32 $0xFFFFF086  }
0x25: {  	[simem:s6], [sflag:s4] =	dma.local [hbm:s3], $0xF7A  }
0x26: {  	[smem:$0x3F9B] =	sst s1;
	(tag) =	ssettag s2;
	_ =	strace s9  }
0x27: {  	s1 =	sld [smem:$0x3FAB]  }
0x28: {  	s2 =	sld [smem:$0x3FAC]  }
0x29: {  	s4 =	sld [smem:$0x3FAE]  }
0x2a: {  	p0 =	seq.s32 s5, $0x0;
	s5 =	sld [smem:$0x3FAF]  }
0x2b: {  	s6 =	sld [smem:$0x3FB0]  }
0x2c: {  	s7 =	sld [smem:$0x3FB1]  }
0x2d: {  	s3 =	simm.s32 $0x108;
	s8 =	sld [smem:$0x3FB2]  }
0x2e: {  	s3 =	simm.s32 @!p0 $0x1082;
	s9 =	sld [smem:$0x3FB3]  }
0x2f: {  	lr =	sadd.s32 s0, s3;
	s0 =	sld [smem:$0x3FAA]  }
0x30: {  	s3 =	sld [smem:$0x3FAD]  }
0x31: {  	[smem:$0x3FB6] =	sst s10  }
0x32: {  	s10 =	sld [smem:$0x3FB4];
	_ =	sdelay $0x3  }
0x33: {  	p0 =	seq.s32 s10, $0x1;
	s10 =	sld [smem:$0x3FB6];
	_ =	sdelay $0x3  }
0x34: {  	[smem:$0x3FB6] =	sst s10  }
0x35: {  	s10 =	sld [smem:$0x3FB5];
	_ =	sdelay $0x3  }
0x36: {  	p1 =	seq.s32 s10, $0x1;
	s10 =	sld [smem:$0x3FB6];
	_ =	sdelay $0x3  }
0x37: {  	[smem:$0x3FB6] =	sst s10  }
0x38: {  	s10 =	sld [smem:$0x3FB7]  }
0x39: {  	_ = 	snop;
	(pc) =	sbr.ind lr, $3  }
0x3a: {  	_ = 	snop  }
0x3b: {  	_ = 	snop  }
0x3c: {  	p2 =	seq.s32 s10, $0x1;
	s10 =	sld [smem:$0x3FB6]  }
0x3d: {  	_ =	shalt  }
0x3e: {  	_ =	shalt  }
0x3f: {  	_ =	shalt  }
0x40: {  	_ =	shalt  }
0x41: {  	_ =	shalt  }
0x42: {  	_ =	shalt  }
0x43: {  	_ =	shalt  }
0x44: {  	_ =	shalt  }
0x45: {  	_ =	shalt  }
0x46: {  	_ =	shalt  }
0x47: {  	_ =	shalt  }
0x48: {  	_ =	shalt  }
0x49: {  	_ =	shalt  }
0x4a: {  	_ =	shalt  }
0x4b: {  	_ =	shalt  }
0x4c: {  	_ =	shalt  }
0x4d: {  	_ =	shalt  }
0x4e: {  	_ =	shalt  }
0x4f: {  	_ =	shalt  }
0x50: {  	_ =	shalt  }
0x51: {  	_ =	shalt  }
0x52: {  	_ =	shalt  }
0x53: {  	_ =	shalt  }
0x54: {  	_ =	shalt  }
0x55: {  	_ =	shalt  }
0x56: {  	_ =	shalt  }
0x57: {  	_ =	shalt  }
0x58: {  	_ =	shalt  }
0x59: {  	_ =	shalt  }
0x5a: {  	_ =	shalt  }
0x5b: {  	_ =	shalt  }
0x5c: {  	_ =	shalt  }
0x5d: {  	_ =	shalt  }
0x5e: {  	_ =	shalt  }
0x5f: {  	_ =	shalt  }
0x60: {  	_ =	shalt  }
0x61: {  	_ =	shalt  }
0x62: {  	_ =	shalt  }
0x63: {  	_ =	shalt  }
0x64: {  	_ =	shalt  }
0x65: {  	_ =	shalt  }
0x66: {  	_ =	shalt  }
0x67: {  	_ =	shalt  }
0x68: {  	_ =	shalt  }
0x69: {  	_ =	shalt  }
0x6a: {  	_ =	shalt  }
0x6b: {  	_ =	shalt  }
0x6c: {  	_ =	shalt  }
0x6d: {  	_ =	shalt  }
0x6e: {  	_ =	shalt  }
0x6f: {  	_ =	shalt  }
0x70: {  	_ =	shalt  }
0x71: {  	_ =	shalt  }
0x72: {  	_ =	shalt  }
0x73: {  	_ =	shalt  }
0x74: {  	_ =	shalt  }
0x75: {  	_ =	shalt  }
0x76: {  	_ =	shalt  }
0x77: {  	_ =	shalt  }
0x78: {  	_ =	shalt  }
0x79: {  	_ =	shalt  }
0x7a: {  	_ =	shalt  }
0x7b: {  	_ =	shalt  }
0x7c: {  	_ =	shalt  }
0x7d: {  	_ =	shalt  }
0x7e: {  	_ =	shalt  }
0x7f: {  	_ =	shalt  }
0x80: {  	_ =	shalt  }
0x81: {  	_ =	shalt  }
0x82: {  	_ =	shalt  }
0x83: {  	_ =	shalt  }
0x84: {  	_ =	shalt  }
0x85: {  	_ =	shalt  }
0x86: {  	_ =	shalt  }
0x87: {  	_ =	shalt  }
.Lfunc_end0:
.L_simem_size_0:
called_computation.2_lowered:
.L_overlay_start_0:
0x88: {  	s2 =	sld [smem:$0x3FD9]  }
0x89: {  	s3 =	sld [smem:$0x3FFE];
	_ =	sdelay $0x1  }
0x8a: {  	s1 =	srdreg.scid  }
0x8b: {  	s0 =	sand.u32 $0x1, s1  }
0x8c: {  	s17 =	sshll.u32 s0, $0xA;
	s2 =	sadd.s32 s3, s2  }
0x8d: {  	s2 =	sadd.s32 s2, s17  }
0x8e: {  	[smem:$0x3FC2] =	sst s2  }
0x8f: {  	_ = 	snop  }
0x90: {  	s2 =	sld [smem:$0x3FD0];
	(tm) =	ssettm $0x1  }
0x91: {  	s18 =	sld [smem:$0x3FFB];
	_ =	sdelay $0x3  }
0x92: {  	_ =	strace s18  }
0x93: {  	s3 =	sld [smem:$0x3FFC];
	_ =	sdelay $0x3  }
0x94: {  	_ =	strace s3  }
0x95: {  	s3 =	sld [smem:$0x3FFD];
	_ =	sdelay $0x3  }
0x96: {  	_ =	strace s3  }
0x97: {  	_ =	strace $0x8FFFFFFF  }
0x98: {  	s19 =	sld [smem:$0x3FDB];
	_ =	sdelay $0x1  }
0x99: {  	s4 =	simm.s32 $_scs_section_size  }
0x9a: {  	s5 =	simm.s32 $_size__tile_overlayer_lowered;
	s6 =	simm.s32 $_tile_overlayer_lowered  }
0x9b: {  	s22 =	simm.s32 $0x1BFF;
	s21 =	sshll.u32 s6, $0x1;
	s3 =	sadd.s32 s4, s19  }
0x9c: {  	s7 =	simm.s32 $0x0;
	s20 =	sshll.u32 s5, $0x1;
	s5 =	sadd.s32 s21, s3  }
0x9d: {  	[timem:s7], [sflag:s22] =	dma.local [hbm:s5], s20  }
0x9e: {  	_ =	swait.ge [sflag:s22], s20  }
0x9f: {  	s4 =	ssub.s32 $0x0, s20;
	[sflag:s22] =	ssyncset.done $0x0  }
0xa0: {  	[sflag:s22] =	ssyncadd.s32 s4;
	_ =	sdelay $0x1  }
0xa1: {  	s23 =	simm.s32 $0x1B8B  }
0xa2: {  	_ =	swait.ge [sflag:s23], $0x1  }
0xa3: {  	[sflag:s23] =	ssyncset.done $0x0  }
0xa4: {  	s25 =	simm.s32 $0x1B8E;
	s24 =	sld [smem:$0x3FFE];
	[sflag:s23] =	ssyncadd.s32 $0xFFFFFFFF  }
0xa5: {  	s26 =	simm.s32 $execute0_lowered;
	[smem:$0x3FD2] =	sst s25  }
0xa6: {  	s5 =	sshll.u32 s26, $0x1;
	_ =	strace $0x8000004C;
	[dreg:$0x1] =	wrdreg $0xFFFFFFFF  }
0xa7: {  	s28 =	simm.s32 $_size_execute0_lowered;
	s3 =	sadd.s32 s3, s5;
	[dreg:$0x0] =	wrdreg $0x0  }
0xa8: {  	s5 =	sshll.u32 s28, $0x1;
	[dreg:$0x2] =	wrdreg s3  }
0xa9: {  	[dreg:$0x3] =	wrdreg s5  }
0xaa: {  	[dreg:$0x4] =	wrdreg $0xC0  }
0xab: {  	_ =	task [dreg:s7], $0x5FFFF  }
0xac: {  	[dreg:$0x1] =	wrdreg $0xFFFFFFFF  }
0xad: {  	[dreg:$0x0] =	wrdreg $0x60  }
0xae: {  	[dreg:$0x2] =	wrdreg s24  }
0xaf: {  	[dreg:$0x3] =	wrdreg s2  }
0xb0: {  	[dreg:$0x4] =	wrdreg $0xA8000  }
0xb1: {  	[dreg:$0x5] =	wrdreg $0x9  }
0xb2: {  	_ =	task.clear_ibuf [dreg:s7], $0x6FFFF;
	_ =	strace $0x9000004C  }
0xb3: {  	s29 =	simm.s32 $0x9;
	_ =	strace $0x8000004E  }
0xb4: {  	_ =	swait.ge [sflag:s29], $0x1  }
0xb5: {  	[sflag:s29] =	ssyncadd.s32 $0xFFFFFFFF  }
0xb6: {  	_ =	strace $0x9000004E  }
0xb7: {  	_ =	sfence  }
0xb8: {  	s30 =	sld [smem:$0x0];
	_ =	sdelay $0x2  }
0xb9: {  	s31 =	sshll.u32 s1, $0xD;
	s1 =	sshrl.u32 s1, $0x2  }
0xba: {  	s3 =	sand.u32 $0x4000, s31;
	s1 =	sadd.s32 s1, s30  }
0xbb: {  	s0 =	sor.u32 s3, s0;
	s1 =	sshll.u32 s1, $0x11  }
0xbc: {  	s0 =	sor.u32 s1, s0  }
0xbd: {  	s0 =	sadd.s32 $0x8F2B, s0  }
0xbe: {  	[sflag:s0] =	ssyncadd.remote.s32 $0x1  }
0xbf: {  	_ =	sfence.sel $0xFFFF  }
0xc0: {  	[dreg:$0x0] =	wrdreg $0xFFFFFFFF;
	(pc) =	sbr.abs _section_cstart, $3  }
0xc1: {  	[dreg:$0x1] =	wrdreg $0xFFFFFFFF  }
0xc2: {  	_ =	task.clear_ibuf [dreg:s7], $0x2FFFF;
	_ =	strace $0x9FFFFFFF  }
0xc3: {  	(tm) =	ssettm $0x7FFFFFFF  }
tec
execute0_lowered:
.L_overlay_start_1:
0x0: {  	(tag) =	ssettag $0x1  }
0x1: {  	s5 =	rddreg [dreg:$0x0]  }
0x2: {  	s6 =	rddreg [dreg:$0x1]  }
0x3: {  	s2 =	rddreg [dreg:$0x2];
	s1 =	stileid.u32  }
0x4: {  	s4 =	srdreg.scid;
	s3 =	simm.s32 $0x0;
	s14 =	simm.s32 $0x7D  }
0x5: {  	s15 =	simm.s32 $0x2800;
	s16 =	simm.s32 $0x80;
	s17 =	simm.s32 $0x6800  }
0x6: {  	s20 =	simm.s32 $0x1;
	s21 =	simm.s32 $0x2;
	s22 =	simm.s32 $0x2600  }
0x7: {  	s23 =	simm.s32 $0x1300;
	s24 =	simm.s32 $0x2680;
	s25 =	simm.s32 $0x1380  }
0x8: {  	s26 =	simm.s32 $0x2700;
	s28 =	simm.s32 $0x2780;
	s29 =	simm.s32 $0x0  }
0x9: {  	s7 =	smul.u32 $0x14000, s1;
	s8 =	sand.u32 $0x1, s4;
	[smem:$0x7FF] =	sst s3  }
0xa: {  	s9 =	sshll.u32 s1, $0x1;
	s11 =	smul.u32 $0x50000, s1;
	s18 =	sshll.u32 s1, $0x6  }
0xb: {  	s4 =	smul.u32 $0x140000, s8;
	_ =	strace $0x8000004D;
	s9 =	sor.u32 s8, s9  }
0xc: {  	s8 =	ssub.s32 $0x2, s8;
	s18 =	sor.u32 $0x1C03, s18;
	s10 =	sshrl.u32 s7, $0x3  }
0xd: {  	s9 =	smul.u32 $0x2800, s9;
	s30 =	sshrl.u32 s8, $0x1;
	s31 =	sshrl.u32 s11, $0x2  }
0xe: {  	s7 =	sadd.s32 s7, s4;
	s4 =	sadd.s32 $0x2C00, s5;
	s10 =	sadd.s32 s10, s5  }
0xf: {  	s13 =	ssub.s32 s8, s30;
	s19 =	sadd.s32 s31, s2;
	s7 =	sshrl.u32 s7, $0x3  }
0x10: {  	s9 =	sshrl.u32 s9, $0x3;
	s11 =	smax.u32 s13, $0x1;
	s13 =	simm.s32 $0x1400  }
0x11: {  	s19 =	sshrl.u32 s19, $0x3;
	s12 =	sadd.s32 s7, s5;
	s5 =	sadd.s32 s6, s9  }
0x12: {  	s7 =	sadd.s32 $0x2AC00, s10;
	s6 =	sadd.s32 $0xA000, s5;
	s8 =	sadd.s32 $0x280, s5  }
0x13: {  	s9 =	sadd.s32 $0xA280, s5;
	s10 =	sadd.s32 $0x52C00, s12;
	s12 =	simm.s32 $0x3  }
.LBB2_1:
0x14: {  	[tilespmem:s3], [sflag:$0x3] =	stream.linear.gather [hbm4b:s5+s3], $0x1400, $0x38;
	[tilespmem:$0x1E800] =	vst v63  }
0x15: {  	_ =	swait.ge [sflag:s12], $0x1400  }
0x16: {  	[sflag:s12] =	ssyncset.done $0x0  }
0x17: {  	[sflag:s12] =	ssyncadd.s32 $0xFFFFEC00  }
0x18: {  	[tilespmem:s13], [sflag:$0x3] =	stream.linear.gather [hbm4b:s6+s3], $0x1400, $0x38;
	[tilespmem:$0x1E800] =	vst v63  }
0x19: {  	_ =	swait.ge [sflag:s12], $0x1400  }
0x1a: {  	[sflag:s12] =	ssyncset.done $0x0  }
0x1b: {  	[sflag:s12] =	ssyncadd.s32 $0xFFFFEC00  }
0x1c: {  	[tilespmem:s15], [sflag:$0x1] =	stream.indirect.gather [hbm4b:s4+s14], $0x80, s3, s14, $0xb8;
	[tilespmem:$0x1E800] =	vst v63  }
0x1d: {  	_ = 	snop  }
0x1e: {  	[tilespmem:s17], [sflag:$0x2] =	stream.indirect.gather [hbm4b:s4+s14], $0x80, s16, s14, $0xb8;
	[tilespmem:$0x1E800] =	vst v63  }
0x1f: {  	[spmem:s19], [sflag:s18] =	dma.local [hbm:s7], $0x2800  }
0x20: {  	_ =	swait.ge [sflag:s12], $0x2800  }
0x21: {  	[sflag:s12] =	ssyncset.done $0x0  }
0x22: {  	[sflag:s12] =	ssyncadd.s32 $0xFFFFD800  }
0x23: {  	[bflag:$0x0] =	sbarrier.arrive $0xFFFF  }
0x24: {  	_ =	swait.ge [sflag:s20], $0x3E80  }
0x25: {  	[sflag:s20] =	ssyncset.done $0x0  }
0x26: {  	s30 =	simm.s32 $0x1400;
	[sflag:s20] =	ssyncadd.s32 $0xFFFFC180  }
0x27: {  	[spmem:s2] =	stream.indirect.scatter.add.f32 [tilespmem:s15], [sflag:$0x3], $0x80, s30, s14, $0xb8;
	[tilespmem:$0x1E800] =	vst v63  }
0x28: {  	_ =	swait.ge [sflag:s12], $0x3E80  }
0x29: {  	[sflag:s12] =	ssyncset.done $0x0  }
0x2a: {  	s30 =	simm.s32 $0x100;
	[sflag:s12] =	ssyncadd.s32 $0xFFFFC180  }
0x2b: {  	[tilespmem:s15], [sflag:$0x1] =	stream.indirect.gather [hbm4b:s4+s14], $0x80, s30, s14, $0xb8;
	[tilespmem:$0x1E800] =	vst v63  }
0x2c: {  	_ =	swait.ge [sflag:s21], $0x3E80  }
0x2d: {  	[sflag:s21] =	ssyncset.done $0x0  }
0x2e: {  	s30 =	simm.s32 $0x1480;
	[sflag:s21] =	ssyncadd.s32 $0xFFFFC180  }
0x2f: {  	[spmem:s2] =	stream.indirect.scatter.add.f32 [tilespmem:s17], [sflag:$0x3], $0x80, s30, s14, $0xb8;
	[tilespmem:$0x1E800] =	vst v63  }
0x30: {  	_ =	swait.ge [sflag:s12], $0x3E80  }
0x31: {  	[sflag:s12] =	ssyncset.done $0x0  }
0x32: {  	s31 =	simm.s32 $0x180;
	s30 =	simm.s32 $0x400;
	[sflag:s12] =	ssyncadd.s32 $0xFFFFC180  }
.LBB2_2:
0x33: {  	[tilespmem:s17], [sflag:$0x2] =	stream.indirect.gather [hbm4b:s4+s14], $0x80, s31, s14, $0xb8;
	[tilespmem:$0x1E800] =	vst v63  }
0x34: {  	s31 =	smov.u32 s30  }
0x35: {  	p0 =	sne.s32 s30, $0x4400;
	s30 =	sadd.s32 $0x400, s30;
	_ =	swait.ge [sflag:s20], $0x3E80  }
0x36: {  	s31 =	sshra.s32 s31, $0x2;
	[sflag:s20] =	ssyncset.done $0x0  }
0x37: {  	s0 =	sadd.s32 $0x1400, s31;
	[sflag:s20] =	ssyncadd.s32 $0xFFFFC180  }
0x38: {  	[spmem:s2] =	stream.indirect.scatter.add.f32 [tilespmem:s15], [sflag:$0x3], $0x80, s0, s14, $0xb8;
	[tilespmem:$0x1E800] =	vst v63  }
0x39: {  	_ =	swait.ge [sflag:s12], $0x3E80  }
0x3a: {  	[sflag:s12] =	ssyncset.done $0x0  }
0x3b: {  	s0 =	sadd.s32 $0x100, s31;
	[sflag:s12] =	ssyncadd.s32 $0xFFFFC180  }
0x3c: {  	[tilespmem:s15], [sflag:$0x1] =	stream.indirect.gather [hbm4b:s4+s14], $0x80, s0, s14, $0xb8;
	[tilespmem:$0x1E800] =	vst v63  }
0x3d: {  	_ =	swait.ge [sflag:s21], $0x3E80  }
0x3e: {  	[sflag:s21] =	ssyncset.done $0x0  }
.Ltmp0:
0x3f: {  	s0 =	sadd.s32 $0x1480, s31;
	[sflag:s21] =	ssyncadd.s32 $0xFFFFC180;
	(pc) =	sbr.rel @p0 .LBB2_2-.Ltmp0, $4  }
0x40: {  	[spmem:s2] =	stream.indirect.scatter.add.f32 [tilespmem:s17], [sflag:$0x3], $0x80, s0, s14, $0xb8;
	[tilespmem:$0x1E800] =	vst v63  }
0x41: {  	_ =	swait.ge [sflag:s12], $0x3E80  }
0x42: {  	[sflag:s12] =	ssyncset.done $0x0  }
0x43: {  	s31 =	sadd.s32 $0x180, s31;
	[sflag:s12] =	ssyncadd.s32 $0xFFFFC180  }
0x44: {  	[tilespmem:s17], [sflag:$0x2] =	stream.indirect.gather [hbm4b:s4+s14], $0x80, s31, s14, $0xb8;
	[tilespmem:$0x1E800] =	vst v63  }
0x45: {  	_ =	swait.ge [sflag:s20], $0x3E80  }
0x46: {  	[sflag:s20] =	ssyncset.done $0x0  }
0x47: {  	[sflag:s20] =	ssyncadd.s32 $0xFFFFC180  }
0x48: {  	[spmem:s2] =	stream.indirect.scatter.add.f32 [tilespmem:s15], [sflag:$0x3], $0x80, s22, s14, $0xb8;
	[tilespmem:$0x1E800] =	vst v63  }
0x49: {  	_ =	swait.ge [sflag:s12], $0x3E80  }
0x4a: {  	[sflag:s12] =	ssyncset.done $0x0  }
0x4b: {  	[sflag:s12] =	ssyncadd.s32 $0xFFFFC180  }
0x4c: {  	[tilespmem:s15], [sflag:$0x1] =	stream.indirect.gather [hbm4b:s4+s14], $0x80, s23, s14, $0xb8;
	[tilespmem:$0x1E800] =	vst v63  }
0x4d: {  	_ =	swait.ge [sflag:s21], $0x3E80  }
0x4e: {  	[sflag:s21] =	ssyncset.done $0x0  }
0x4f: {  	[sflag:s21] =	ssyncadd.s32 $0xFFFFC180  }
0x50: {  	[spmem:s2] =	stream.indirect.scatter.add.f32 [tilespmem:s17], [sflag:$0x3], $0x80, s24, s14, $0xb8;
	[tilespmem:$0x1E800] =	vst v63  }
0x51: {  	_ =	swait.ge [sflag:s12], $0x3E80  }
0x52: {  	[sflag:s12] =	ssyncset.done $0x0  }
0x53: {  	[sflag:s12] =	ssyncadd.s32 $0xFFFFC180  }
0x54: {  	[tilespmem:s17], [sflag:$0x2] =	stream.indirect.gather [hbm4b:s4+s14], $0x80, s25, s14, $0xb8;
	[tilespmem:$0x1E800] =	vst v63  }
0x55: {  	_ =	swait.ge [sflag:s20], $0x3E80  }
0x56: {  	[sflag:s20] =	ssyncset.done $0x0  }
0x57: {  	[sflag:s20] =	ssyncadd.s32 $0xFFFFC180  }
0x58: {  	[spmem:s2] =	stream.indirect.scatter.add.f32 [tilespmem:s15], [sflag:$0x3], $0x80, s26, s14, $0xb8;
	[tilespmem:$0x1E800] =	vst v63  }
0x59: {  	_ =	swait.ge [sflag:s12], $0x3E80  }
0x5a: {  	[sflag:s12] =	ssyncset.done $0x0  }
0x5b: {  	[sflag:s12] =	ssyncadd.s32 $0xFFFFC180  }
0x5c: {  	[tilespmem:s15], [sflag:$0x1] =	stream.indirect.gather [hbm4b:s4+s14], $0x80, s25, s14, $0xb8;
	[tilespmem:$0x1E800] =	vst v63  }
0x5d: {  	_ =	swait.ge [sflag:s21], $0x3E80  }
0x5e: {  	[sflag:s21] =	ssyncset.done $0x0  }
0x5f: {  	[sflag:s21] =	ssyncadd.s32 $0xFFFFC180  }
0x60: {  	[spmem:s2] =	stream.indirect.scatter.add.f32 [tilespmem:s17], [sflag:$0x3], $0x80, s28, s14, $0xb8;
	[tilespmem:$0x1E800] =	vst v63  }
0x61: {  	_ =	swait.ge [sflag:s12], $0x3E80  }
0x62: {  	[sflag:s12] =	ssyncset.done $0x0  }
0x63: {  	[sflag:s12] =	ssyncadd.s32 $0xFFFFC180  }
0x64: {  	[tilespmem:s17], [sflag:$0x2] =	stream.indirect.gather [hbm4b:s4+s14], $0x80, s25, s14, $0xb8;
	[tilespmem:$0x1E800] =	vst v63  }
0x65: {  	_ =	swait.ge [sflag:s20], $0x3E80  }
0x66: {  	[sflag:s20] =	ssyncset.done $0x0  }
0x67: {  	[sflag:s20] =	ssyncadd.s32 $0xFFFFC180  }
0x68: {  	_ =	swait.ge [sflag:s21], $0x3E80  }
0x69: {  	[sflag:s21] =	ssyncset.done $0x0  }
0x6a: {  	s0 =	simm.s32 $0x0;
	[sflag:s21] =	ssyncadd.s32 $0xFFFFC180  }
0x6b: {  	[tilespmem:s0], [sflag:$0x3] =	stream.linear.gather [hbm4b:s8+s0], $0x1400, $0x38;
	[tilespmem:$0x1E800] =	vst v63  }
0x6c: {  	_ =	swait.ge [sflag:s12], $0x1400  }
0x6d: {  	[sflag:s12] =	ssyncset.done $0x0  }
0x6e: {  	[sflag:s12] =	ssyncadd.s32 $0xFFFFEC00  }
0x6f: {  	[tilespmem:s13], [sflag:$0x3] =	stream.linear.gather [hbm4b:s9+s0], $0x1400, $0x38;
	[tilespmem:$0x1E800] =	vst v63  }
0x70: {  	_ =	swait.ge [sflag:s12], $0x1400  }
0x71: {  	[sflag:s12] =	ssyncset.done $0x0  }
0x72: {  	[sflag:s12] =	ssyncadd.s32 $0xFFFFEC00  }
0x73: {  	[tilespmem:s15], [sflag:$0x1] =	stream.indirect.gather [hbm4b:s4+s14], $0x80, s0, s14, $0xb8;
	[tilespmem:$0x1E800] =	vst v63  }
0x74: {  	_ = 	snop  }
0x75: {  	[tilespmem:s17], [sflag:$0x2] =	stream.indirect.gather [hbm4b:s4+s14], $0x80, s16, s14, $0xb8;
	[tilespmem:$0x1E800] =	vst v63  }
0x76: {  	_ =	swait.ge [sflag:s20], $0x3E80  }
0x77: {  	[sflag:s20] =	ssyncset.done $0x0  }
0x78: {  	s0 =	simm.s32 $0x1400;
	[sflag:s20] =	ssyncadd.s32 $0xFFFFC180  }
0x79: {  	[spmem:s2] =	stream.indirect.scatter.add.f32 [tilespmem:s15], [sflag:$0x3], $0x80, s0, s14, $0xb8;
	[tilespmem:$0x1E800] =	vst v63  }
0x7a: {  	_ =	swait.ge [sflag:s12], $0x3E80  }
0x7b: {  	[sflag:s12] =	ssyncset.done $0x0  }
0x7c: {  	s0 =	simm.s32 $0x100;
	[sflag:s12] =	ssyncadd.s32 $0xFFFFC180  }
0x7d: {  	[tilespmem:s15], [sflag:$0x1] =	stream.indirect.gather [hbm4b:s4+s14], $0x80, s0, s14, $0xb8;
	[tilespmem:$0x1E800] =	vst v63  }
0x7e: {  	_ =	swait.ge [sflag:s21], $0x3E80  }
0x7f: {  	[sflag:s21] =	ssyncset.done $0x0  }
0x80: {  	s0 =	simm.s32 $0x1480;
	[sflag:s21] =	ssyncadd.s32 $0xFFFFC180  }
0x81: {  	[spmem:s2] =	stream.indirect.scatter.add.f32 [tilespmem:s17], [sflag:$0x3], $0x80, s0, s14, $0xb8;
	[tilespmem:$0x1E800] =	vst v63  }
0x82: {  	_ =	swait.ge [sflag:s12], $0x3E80  }
0x83: {  	[sflag:s12] =	ssyncset.done $0x0  }
0x84: {  	s30 =	simm.s32 $0x400;
	s31 =	simm.s32 $0x180;
	[sflag:s12] =	ssyncadd.s32 $0xFFFFC180  }
.LBB2_4:
0x85: {  	[tilespmem:s17], [sflag:$0x2] =	stream.indirect.gather [hbm4b:s4+s14], $0x80, s31, s14, $0xb8;
	[tilespmem:$0x1E800] =	vst v63  }
0x86: {  	s0 =	smov.u32 s30  }
0x87: {  	p0 =	sne.s32 s30, $0x4400;
	s30 =	sadd.s32 $0x400, s30;
	_ =	swait.ge [sflag:s20], $0x3E80  }
0x88: {  	s0 =	sshra.s32 s0, $0x2;
	[sflag:s20] =	ssyncset.done $0x0  }
0x89: {  	s31 =	sadd.s32 $0x1400, s0;
	[sflag:s20] =	ssyncadd.s32 $0xFFFFC180  }
0x8a: {  	[spmem:s2] =	stream.indirect.scatter.add.f32 [tilespmem:s15], [sflag:$0x3], $0x80, s31, s14, $0xb8;
	[tilespmem:$0x1E800] =	vst v63  }
0x8b: {  	_ =	swait.ge [sflag:s12], $0x3E80  }
0x8c: {  	[sflag:s12] =	ssyncset.done $0x0  }
0x8d: {  	s31 =	sadd.s32 $0x100, s0;
	[sflag:s12] =	ssyncadd.s32 $0xFFFFC180  }
0x8e: {  	[tilespmem:s15], [sflag:$0x1] =	stream.indirect.gather [hbm4b:s4+s14], $0x80, s31, s14, $0xb8;
	[tilespmem:$0x1E800] =	vst v63  }
0x8f: {  	_ =	swait.ge [sflag:s21], $0x3E80  }
0x90: {  	[sflag:s21] =	ssyncset.done $0x0  }
.Ltmp1:
0x91: {  	s31 =	sadd.s32 $0x1480, s0;
	[sflag:s21] =	ssyncadd.s32 $0xFFFFC180;
	(pc) =	sbr.rel @p0 .LBB2_4-.Ltmp1, $4  }
0x92: {  	[spmem:s2] =	stream.indirect.scatter.add.f32 [tilespmem:s17], [sflag:$0x3], $0x80, s31, s14, $0xb8;
	[tilespmem:$0x1E800] =	vst v63  }
0x93: {  	_ =	swait.ge [sflag:s12], $0x3E80  }
0x94: {  	[sflag:s12] =	ssyncset.done $0x0  }
0x95: {  	s31 =	sadd.s32 $0x180, s0;
	[sflag:s12] =	ssyncadd.s32 $0xFFFFC180  }
0x96: {  	[tilespmem:s17], [sflag:$0x2] =	stream.indirect.gather [hbm4b:s4+s14], $0x80, s31, s14, $0xb8;
	[tilespmem:$0x1E800] =	vst v63  }
0x97: {  	_ =	swait.ge [sflag:s20], $0x3E80  }
0x98: {  	[sflag:s20] =	ssyncset.done $0x0  }
0x99: {  	[sflag:s20] =	ssyncadd.s32 $0xFFFFC180  }
0x9a: {  	[spmem:s2] =	stream.indirect.scatter.add.f32 [tilespmem:s15], [sflag:$0x3], $0x80, s22, s14, $0xb8;
	[tilespmem:$0x1E800] =	vst v63  }
0x9b: {  	_ =	swait.ge [sflag:s12], $0x3E80  }
0x9c: {  	[sflag:s12] =	ssyncset.done $0x0  }
0x9d: {  	[sflag:s12] =	ssyncadd.s32 $0xFFFFC180  }
0x9e: {  	[tilespmem:s15], [sflag:$0x1] =	stream.indirect.gather [hbm4b:s4+s14], $0x80, s23, s14, $0xb8;
	[tilespmem:$0x1E800] =	vst v63  }
0x9f: {  	_ =	swait.ge [sflag:s21], $0x3E80  }
0xa0: {  	[sflag:s21] =	ssyncset.done $0x0  }
0xa1: {  	[sflag:s21] =	ssyncadd.s32 $0xFFFFC180  }
0xa2: {  	[spmem:s2] =	stream.indirect.scatter.add.f32 [tilespmem:s17], [sflag:$0x3], $0x80, s24, s14, $0xb8;
	[tilespmem:$0x1E800] =	vst v63  }
0xa3: {  	_ =	swait.ge [sflag:s12], $0x3E80  }
0xa4: {  	[sflag:s12] =	ssyncset.done $0x0  }
0xa5: {  	[sflag:s12] =	ssyncadd.s32 $0xFFFFC180  }
0xa6: {  	[tilespmem:s17], [sflag:$0x2] =	stream.indirect.gather [hbm4b:s4+s14], $0x80, s25, s14, $0xb8;
	[tilespmem:$0x1E800] =	vst v63  }
0xa7: {  	_ =	swait.ge [sflag:s20], $0x3E80  }
0xa8: {  	[sflag:s20] =	ssyncset.done $0x0  }
0xa9: {  	[sflag:s20] =	ssyncadd.s32 $0xFFFFC180  }
0xaa: {  	[spmem:s2] =	stream.indirect.scatter.add.f32 [tilespmem:s15], [sflag:$0x3], $0x80, s26, s14, $0xb8;
	[tilespmem:$0x1E800] =	vst v63  }
0xab: {  	_ =	swait.ge [sflag:s12], $0x3E80  }
0xac: {  	[sflag:s12] =	ssyncset.done $0x0  }
0xad: {  	[sflag:s12] =	ssyncadd.s32 $0xFFFFC180  }
0xae: {  	[tilespmem:s15], [sflag:$0x1] =	stream.indirect.gather [hbm4b:s4+s14], $0x80, s25, s14, $0xb8;
	[tilespmem:$0x1E800] =	vst v63  }
0xaf: {  	_ =	swait.ge [sflag:s21], $0x3E80  }
0xb0: {  	[sflag:s21] =	ssyncset.done $0x0  }
0xb1: {  	[sflag:s21] =	ssyncadd.s32 $0xFFFFC180  }
0xb2: {  	[spmem:s2] =	stream.indirect.scatter.add.f32 [tilespmem:s17], [sflag:$0x3], $0x80, s28, s14, $0xb8;
	[tilespmem:$0x1E800] =	vst v63  }
0xb3: {  	_ =	swait.ge [sflag:s12], $0x3E80  }
0xb4: {  	[sflag:s12] =	ssyncset.done $0x0  }
0xb5: {  	[sflag:s12] =	ssyncadd.s32 $0xFFFFC180  }
0xb6: {  	[tilespmem:s17], [sflag:$0x2] =	stream.indirect.gather [hbm4b:s4+s14], $0x80, s25, s14, $0xb8;
	[tilespmem:$0x1E800] =	vst v63  }
0xb7: {  	_ =	swait.ge [sflag:s20], $0x3E80  }
0xb8: {  	[sflag:s20] =	ssyncset.done $0x0  }
0xb9: {  	[sflag:s20] =	ssyncadd.s32 $0xFFFFC180  }
0xba: {  	_ =	swait.ge [sflag:s21], $0x3E80  }
0xbb: {  	s29 =	sadd.s32 $0x1, s29;
	[sflag:s21] =	ssyncset.done $0x0  }
0xbc: {  	p0 =	sne.s32 s29, s11;
	[sflag:s21] =	ssyncadd.s32 $0xFFFFC180  }
.Ltmp2:
0xbd: {  	[bflag:$0x0] =	sbarrier.arrive $0xFFFF;
	(pc) =	sbr.rel @p0 .LBB2_1-.Ltmp2, $4  }
0xbe: {  	[hbm:s10], [sflag:s18] =	dma.local [spmem:s19], $0x2800  }
0xbf: {  	_ =	swait.ge [sflag:s12], $0x2800  }
0xc0: {  	[sflag:s12] =	ssyncset.done $0x0  }
0xc1: {  	[sflag:s12] =	ssyncadd.s32 $0xFFFFD800  }
0xc2: {  	_ =	sfence.sel $0x180000  }
0xc3: {  	[bflag:$0x0] =	sbarrier.arrive $0xFFFF  }
0xc4: {  	_ =	strace $0x9000004D  }
0xc5: {  	[bflag:$0x2] =	sbarrier.arrive $0xFFFF  }
0xc6: {  	p0 =	sne.s32 s1, $0x0;
	s0 =	rddreg [dreg:$0x3]  }
0xc7: {  	s0 =	sadd.s32 @!p0 $0x100000, s0  }
0xc8: {  	[sflag:s0] =	ssyncadd.tile.s32 @!p0 $0x1;
	_ =	shalt  }
.Lfunc_end2:
_tile_overlayer_lowered:
.L_overlay_start_2:
0xc9: {  	(tag) =	ssettag $0x2  }
0xca: {  	s0 =	rddreg [dreg:$0x0];
	s2 =	stileid.u32  }
0xcb: {  	s1 =	rddreg [dreg:$0x1];
	p0 =	sne.s32 s2, $0x0  }
0xcc: {  	s3 =	rddreg [dreg:$0x2];
	[bflag:$0x3] =	sbarrier.arrive $0xFFFF;
	s2 =	simm.s32 @!p0 $0x1C03  }
0xcd: {  	[timem:s3], [sflag:s2] =	dma.local @!p0 [hbm:s0], s1  }
0xce: {  	s0 =	simm.s32 @!p0 $0x3  }
0xcf: {  	_ =	swait.ge @!p0 [sflag:s0], s1  }
0xd0: {  	s1 =	ssub.s32 @!p0 $0x0, s1;
	[sflag:s0] =	ssyncset.done @!p0 $0x0  }
0xd1: {  	[sflag:s0] =	ssyncadd.s32 @!p0 s1  }
0xd2: {  	[bflag:$0x3] =	sbarrier.arrive $0xFFFF  }
0xd3: {  	_ =	shalt  }

// kernel: kernel.8.cloned.1.call-start
scs
__scs_entry_jumppad:
0x0: {  	(pc) =	sbr.rel $0x88, $3  }
0x1: {  	(tag) =	ssettag $0x0;
	lr =	simm.s32 $0x1  }
0x2: {  	[smem:$0x3F9B] =	sst lr;
	_ =	strace $0xD0000000  }
0x3: {  	_ = 	snop  }
0x4: {  	_ = 	snop  }
0x5: {  	_ = 	snop  }
0x6: {  	_ = 	snop  }
0x7: {  	_ = 	snop  }
__scs_overlays_trampoline_lowered:
0x8: {  	[smem:$0x3FAA] =	sst s0  }
0x9: {  	[smem:$0x3FAB] =	sst s1  }
0xa: {  	[smem:$0x3FAC] =	sst s2  }
0xb: {  	[smem:$0x3FAD] =	sst s3  }
0xc: {  	[smem:$0x3FAE] =	sst s4  }
0xd: {  	[smem:$0x3FAF] =	sst s5  }
0xe: {  	[smem:$0x3FB0] =	sst s6  }
0xf: {  	[smem:$0x3FB1] =	sst s7  }
0x10: {  	[smem:$0x3FB2] =	sst s8  }
0x11: {  	[smem:$0x3FB3] =	sst s9;
	s0 =	simm.s32 @!p0 $0x0  }
0x12: {  	s1 =	sld [smem:$0x3F99];
	s0 =	simm.s32 @p0 $0x1  }
0x13: {  	[smem:$0x3FB4] =	sst s0;
	s0 =	simm.s32 @!p1 $0x0  }
0x14: {  	s2 =	sld [smem:$0x3F98];
	s0 =	simm.s32 @p1 $0x1  }
0x15: {  	[smem:$0x3FB5] =	sst s0;
	s0 =	simm.s32 @!p2 $0x0  }
0x16: {  	s3 =	sld [smem:$0x3FDB];
	s0 =	simm.s32 @p2 $0x1  }
0x17: {  	s4 =	simm.s32 $0x1BF5;
	[smem:$0x3FB7] =	sst s0  }
0x18: {  	s0 =	sld [smem:$0x3F9A];
	_ =	swait.ge [sflag:s4], $0x0  }
0x19: {  	s7 =	sld [smem:$0x3F9B]  }
0x1a: {  	s8 =	sadd.s32 $0xFFFFE003, lr  }
0x1b: {  	s9 =	sadd.s32 $0xFFFFFEF7, lr;
	s5 =	simm.s32 $0xFFFFFFFF;
	p2 =	slt.u32 s8, $0xFFFFF086  }
0x1c: {  	p1 =	slt.u32 s9, $0xF7A;
	s5 =	simm.s32 @!p2 $0x0  }
0x1d: {  	s5 =	simm.s32 @p1 $0x1;
	p0 =	seq.s32 s7, s2  }
0x1e: {  	s7 =	smul.u32 @!p0 $0xF7A, s2;
	p2 =	seq.s32 @!p0 s5, $0x0  }
0x1f: {  	s9 =	smul.u32 $0xF7A, s1;
	s8 =	simm.s32 @!p0 $0x1BF5;
	p2 =	por !p2, p0  }
0x20: {  	[sflag:s8] =	ssyncset.s32 @!p0 $0xFFFFF086;
	s6 =	sadd.s32 @!p0 s3, s7;
	s7 =	simm.s32 @!p0 $0x108  }
0x21: {  	s3 =	sadd.s32 s3, s9;
	s6 =	sadd.s32 @!p0 $0x88, s6;
	s7 =	simm.s32 @p2 $0x1082  }
0x22: {  	[simem:s7], [sflag:s8] =	dma.local @!p0 [hbm:s6], $0xF7A  }
0x23: {  	s9 =	sor.u32 $0xD0000000, s2;
	s6 =	simm.s32 $0x108;
	_ =	swait.ge @!p0 [sflag:s8], $0x0  }
0x24: {  	s3 =	sadd.s32 $0x88, s3;
	s6 =	simm.s32 @!p1 $0x1082;
	[sflag:s4] =	ssyncset.s32 $0xFFFFF086  }
0x25: {  	[simem:s6], [sflag:s4] =	dma.local [hbm:s3], $0xF7A  }
0x26: {  	[smem:$0x3F9B] =	sst s1;
	(tag) =	ssettag s2;
	_ =	strace s9  }
0x27: {  	s1 =	sld [smem:$0x3FAB]  }
0x28: {  	s2 =	sld [smem:$0x3FAC]  }
0x29: {  	s4 =	sld [smem:$0x3FAE]  }
0x2a: {  	p0 =	seq.s32 s5, $0x0;
	s5 =	sld [smem:$0x3FAF]  }
0x2b: {  	s6 =	sld [smem:$0x3FB0]  }
0x2c: {  	s7 =	sld [smem:$0x3FB1]  }
0x2d: {  	s3 =	simm.s32 $0x108;
	s8 =	sld [smem:$0x3FB2]  }
0x2e: {  	s3 =	simm.s32 @!p0 $0x1082;
	s9 =	sld [smem:$0x3FB3]  }
0x2f: {  	lr =	sadd.s32 s0, s3;
	s0 =	sld [smem:$0x3FAA]  }
0x30: {  	s3 =	sld [smem:$0x3FAD]  }
0x31: {  	[smem:$0x3FB6] =	sst s10  }
0x32: {  	s10 =	sld [smem:$0x3FB4];
	_ =	sdelay $0x3  }
0x33: {  	p0 =	seq.s32 s10, $0x1;
	s10 =	sld [smem:$0x3FB6];
	_ =	sdelay $0x3  }
0x34: {  	[smem:$0x3FB6] =	sst s10  }
0x35: {  	s10 =	sld [smem:$0x3FB5];
	_ =	sdelay $0x3  }
0x36: {  	p1 =	seq.s32 s10, $0x1;
	s10 =	sld [smem:$0x3FB6];
	_ =	sdelay $0x3  }
0x37: {  	[smem:$0x3FB6] =	sst s10  }
0x38: {  	s10 =	sld [smem:$0x3FB7]  }
0x39: {  	_ = 	snop;
	(pc) =	sbr.ind lr, $3  }
0x3a: {  	_ = 	snop  }
0x3b: {  	_ = 	snop  }
0x3c: {  	p2 =	seq.s32 s10, $0x1;
	s10 =	sld [smem:$0x3FB6]  }
0x3d: {  	_ =	shalt  }
0x3e: {  	_ =	shalt  }
0x3f: {  	_ =	shalt  }
0x40: {  	_ =	shalt  }
0x41: {  	_ =	shalt  }
0x42: {  	_ =	shalt  }
0x43: {  	_ =	shalt  }
0x44: {  	_ =	shalt  }
0x45: {  	_ =	shalt  }
0x46: {  	_ =	shalt  }
0x47: {  	_ =	shalt  }
0x48: {  	_ =	shalt  }
0x49: {  	_ =	shalt  }
0x4a: {  	_ =	shalt  }
0x4b: {  	_ =	shalt  }
0x4c: {  	_ =	shalt  }
0x4d: {  	_ =	shalt  }
0x4e: {  	_ =	shalt  }
0x4f: {  	_ =	shalt  }
0x50: {  	_ =	shalt  }
0x51: {  	_ =	shalt  }
0x52: {  	_ =	shalt  }
0x53: {  	_ =	shalt  }
0x54: {  	_ =	shalt  }
0x55: {  	_ =	shalt  }
0x56: {  	_ =	shalt  }
0x57: {  	_ =	shalt  }
0x58: {  	_ =	shalt  }
0x59: {  	_ =	shalt  }
0x5a: {  	_ =	shalt  }
0x5b: {  	_ =	shalt  }
0x5c: {  	_ =	shalt  }
0x5d: {  	_ =	shalt  }
0x5e: {  	_ =	shalt  }
0x5f: {  	_ =	shalt  }
0x60: {  	_ =	shalt  }
0x61: {  	_ =	shalt  }
0x62: {  	_ =	shalt  }
0x63: {  	_ =	shalt  }
0x64: {  	_ =	shalt  }
0x65: {  	_ =	shalt  }
0x66: {  	_ =	shalt  }
0x67: {  	_ =	shalt  }
0x68: {  	_ =	shalt  }
0x69: {  	_ =	shalt  }
0x6a: {  	_ =	shalt  }
0x6b: {  	_ =	shalt  }
0x6c: {  	_ =	shalt  }
0x6d: {  	_ =	shalt  }
0x6e: {  	_ =	shalt  }
0x6f: {  	_ =	shalt  }
0x70: {  	_ =	shalt  }
0x71: {  	_ =	shalt  }
0x72: {  	_ =	shalt  }
0x73: {  	_ =	shalt  }
0x74: {  	_ =	shalt  }
0x75: {  	_ =	shalt  }
0x76: {  	_ =	shalt  }
0x77: {  	_ =	shalt  }
0x78: {  	_ =	shalt  }
0x79: {  	_ =	shalt  }
0x7a: {  	_ =	shalt  }
0x7b: {  	_ =	shalt  }
0x7c: {  	_ =	shalt  }
0x7d: {  	_ =	shalt  }
0x7e: {  	_ =	shalt  }
0x7f: {  	_ =	shalt  }
0x80: {  	_ =	shalt  }
0x81: {  	_ =	shalt  }
0x82: {  	_ =	shalt  }
0x83: {  	_ =	shalt  }
0x84: {  	_ =	shalt  }
0x85: {  	_ =	shalt  }
0x86: {  	_ =	shalt  }
0x87: {  	_ =	shalt  }
.Lfunc_end0:
.L_simem_size_0:
called_computation_lowered:
.L_overlay_start_0:
0x88: {  	s2 =	sld [smem:$0x3FD9]  }
0x89: {  	s3 =	sld [smem:$0x3FFE];
	_ =	sdelay $0x1  }
0x8a: {  	s1 =	srdreg.scid  }
0x8b: {  	s0 =	sand.u32 $0x1, s1  }
0x8c: {  	s17 =	sshll.u32 s0, $0xA;
	s2 =	sadd.s32 s3, s2  }
0x8d: {  	s2 =	sadd.s32 s2, s17  }
0x8e: {  	[smem:$0x3FC2] =	sst s2  }
0x8f: {  	_ = 	snop  }
0x90: {  	s2 =	sld [smem:$0x3FD0];
	(tm) =	ssettm $0x1  }
0x91: {  	s18 =	sld [smem:$0x3FFB];
	_ =	sdelay $0x3  }
0x92: {  	_ =	strace s18  }
0x93: {  	s3 =	sld [smem:$0x3FFC];
	_ =	sdelay $0x3  }
0x94: {  	_ =	strace s3  }
0x95: {  	s3 =	sld [smem:$0x3FFD];
	_ =	sdelay $0x3  }
0x96: {  	_ =	strace s3  }
0x97: {  	_ =	strace $0x8FFFFFFF  }
0x98: {  	s19 =	sld [smem:$0x3FDB];
	_ =	sdelay $0x1  }
0x99: {  	s4 =	simm.s32 $_scs_section_size  }
0x9a: {  	s5 =	simm.s32 $_size__tile_overlayer_lowered;
	s6 =	simm.s32 $_tile_overlayer_lowered  }
0x9b: {  	s22 =	simm.s32 $0x1BFF;
	s21 =	sshll.u32 s6, $0x1;
	s3 =	sadd.s32 s4, s19  }
0x9c: {  	s7 =	simm.s32 $0x0;
	s20 =	sshll.u32 s5, $0x1;
	s5 =	sadd.s32 s21, s3  }
0x9d: {  	[timem:s7], [sflag:s22] =	dma.local [hbm:s5], s20  }
0x9e: {  	_ =	swait.ge [sflag:s22], s20  }
0x9f: {  	s4 =	ssub.s32 $0x0, s20;
	[sflag:s22] =	ssyncset.done $0x0  }
0xa0: {  	[sflag:s22] =	ssyncadd.s32 s4;
	_ =	sdelay $0x1  }
0xa1: {  	s23 =	simm.s32 $0x1B8B  }
0xa2: {  	_ =	swait.ge [sflag:s23], $0x1  }
0xa3: {  	[sflag:s23] =	ssyncset.done $0x0  }
0xa4: {  	s25 =	simm.s32 $0x1B8E;
	s24 =	sld [smem:$0x3FFE];
	[sflag:s23] =	ssyncadd.s32 $0xFFFFFFFF  }
0xa5: {  	s26 =	simm.s32 $execute0_lowered;
	[smem:$0x3FD2] =	sst s25  }
0xa6: {  	s5 =	sshll.u32 s26, $0x1;
	_ =	strace $0x80000046;
	[dreg:$0x1] =	wrdreg $0xFFFFFFFF  }
0xa7: {  	s28 =	simm.s32 $_size_execute0_lowered;
	s3 =	sadd.s32 s3, s5;
	[dreg:$0x0] =	wrdreg $0x0  }
0xa8: {  	s5 =	sshll.u32 s28, $0x1;
	[dreg:$0x2] =	wrdreg s3  }
0xa9: {  	[dreg:$0x3] =	wrdreg s5  }
0xaa: {  	[dreg:$0x4] =	wrdreg $0xC0  }
0xab: {  	_ =	task [dreg:s7], $0x5FFFF  }
0xac: {  	[dreg:$0x1] =	wrdreg $0xFFFFFFFF  }
0xad: {  	[dreg:$0x0] =	wrdreg $0x60  }
0xae: {  	[dreg:$0x2] =	wrdreg s2  }
0xaf: {  	[dreg:$0x3] =	wrdreg s24  }
0xb0: {  	[dreg:$0x4] =	wrdreg $0x28800  }
0xb1: {  	[dreg:$0x5] =	wrdreg $0x9  }
0xb2: {  	_ =	task.clear_ibuf [dreg:s7], $0x6FFFF;
	_ =	strace $0x90000046  }
0xb3: {  	s29 =	simm.s32 $0x9;
	_ =	strace $0x80000048  }
0xb4: {  	_ =	swait.ge [sflag:s29], $0x1  }
0xb5: {  	[sflag:s29] =	ssyncadd.s32 $0xFFFFFFFF  }
0xb6: {  	_ =	strace $0x90000048  }
0xb7: {  	_ =	sfence  }
0xb8: {  	s30 =	sld [smem:$0x0];
	_ =	sdelay $0x2  }
0xb9: {  	s31 =	sshll.u32 s1, $0xD;
	s1 =	sshrl.u32 s1, $0x2  }
0xba: {  	s3 =	sand.u32 $0x4000, s31;
	s1 =	sadd.s32 s1, s30  }
0xbb: {  	s0 =	sor.u32 s3, s0;
	s1 =	sshll.u32 s1, $0x11  }
0xbc: {  	s0 =	sor.u32 s1, s0  }
0xbd: {  	s0 =	sadd.s32 $0x8F2B, s0  }
0xbe: {  	[sflag:s0] =	ssyncadd.remote.s32 $0x1  }
0xbf: {  	_ =	sfence.sel $0xFFFF  }
0xc0: {  	[dreg:$0x0] =	wrdreg $0xFFFFFFFF;
	(pc) =	sbr.abs _section_cstart, $3  }
0xc1: {  	[dreg:$0x1] =	wrdreg $0xFFFFFFFF  }
0xc2: {  	_ =	task.clear_ibuf [dreg:s7], $0x2FFFF;
	_ =	strace $0x9FFFFFFF  }
0xc3: {  	(tm) =	ssettm $0x7FFFFFFF  }
tec
execute0_lowered:
.L_overlay_start_1:
0x0: {  	(tag) =	ssettag $0x1  }
0x1: {  	s0 =	rddreg [dreg:$0x0]  }
0x2: {  	s1 =	rddreg [dreg:$0x1]  }
0x3: {  	s2 =	rddreg [dreg:$0x2];
	s3 =	simm.s32 $0x0  }
0x4: {  	s11 =	stileid.u32;
	s6 =	srdreg.scid;
	s12 =	simm.s32 $0x2800  }
0x5: {  	s13 =	simm.s32 $0x7D;
	s28 =	simm.s32 $0x2380;
	s29 =	simm.s32 $0x2400  }
0x6: {  	s30 =	simm.s32 $0x2480;
	s31 =	simm.s32 $0x2500;
	s14 =	simm.s32 $0x2680  }
0x7: {  	s15 =	simm.s32 $0x2700;
	s16 =	simm.s32 $0x2780;
	s17 =	simm.s32 $0x1  }
0x8: {  	s18 =	simm.s32 $0x20;
	s19 =	simm.s32 $0x10;
	s20 =	simm.s32 $0x0  }
0x9: {  	[smem:$0x7FF] =	sst s3;
	s5 =	smul.u32 $0x280, s11;
	s4 =	sadd.s32 $0x2C00, s1  }
0xa: {  	s6 =	sand.u32 $0x1, s6;
	s7 =	smul.u32 $0x500, s11;
	s10 =	sshll.u32 s11, $0x1  }
0xb: {  	s25 =	sshll.u32 s11, $0x6;
	s11 =	simm.s32 $0x2;
	_ =	strace $0x80000047  }
0xc: {  	s9 =	sshll.u32 s6, $0x7;
	s22 =	ssub.s32 $0x2, s6;
	s6 =	sor.u32 s6, s10  }
0xd: {  	s8 =	sshrl.u32 s5, $0x3;
	s7 =	sor.u32 s9, s7;
	s23 =	sshrl.u32 s22, $0x1  }
0xe: {  	s6 =	smul.u32 $0x2800, s6;
	s24 =	sadd.s32 s5, s2;
	s7 =	sshrl.u32 s7, $0x3  }
0xf: {  	s8 =	sadd.s32 s8, s1;
	s9 =	ssub.s32 s22, s23;
	s10 =	sshrl.u32 s24, $0x3  }
0x10: {  	s22 =	simm.s32 $0x2100;
	s23 =	simm.s32 $0x2180;
	s24 =	simm.s32 $0x2200  }
0x11: {  	s1 =	sadd.s32 s7, s1;
	s26 =	sshrl.u32 s6, $0x3;
	s5 =	sadd.s32 $0x2E00, s8  }
0x12: {  	s6 =	sor.u32 $0x1C02, s25;
	s9 =	smax.u32 s9, $0x1;
	s25 =	simm.s32 $0x2280  }
0x13: {  	s0 =	sadd.s32 s0, s26;
	s8 =	sadd.s32 $0x3400, s1;
	s26 =	simm.s32 $0x2300  }
0x14: {  	s1 =	simm.s32 $0x2600;
	s7 =	sadd.s32 $0xA000, s0;
	s0 =	simm.s32 $0x2580  }
.LBB2_1:
0x15: {  	[spmem:s10], [sflag:s6] =	dma.local [hbm:s5], $0x50  }
0x16: {  	_ =	swait.ge [sflag:s11], $0x50  }
0x17: {  	[sflag:s11] =	ssyncset.done $0x0  }
0x18: {  	[sflag:s11] =	ssyncadd.s32 $0xFFFFFFB0  }
0x19: {  	[tilespmem:s3], [sflag:$0x2] =	stream.linear.gather [hbm4b:s7+s3], $0x2800, $0x38;
	[tilespmem:$0x2B00] =	vst v63  }
0x1a: {  	_ =	swait.ge [sflag:s11], $0x2800  }
0x1b: {  	[sflag:s11] =	ssyncset.done $0x0  }
0x1c: {  	[sflag:s11] =	ssyncadd.s32 $0xFFFFD800  }
0x1d: {  	[tilespmem:s12], [sflag:$0x2] =	stream.linear.gather [hbm4b:s4+s3], $0x80, $0x38;
	[tilespmem:$0x2B00] =	vst v63  }
0x1e: {  	_ =	swait.ge [sflag:s11], $0x80  }
0x1f: {  	[sflag:s11] =	ssyncset.done $0x0  }
0x20: {  	[sflag:s11] =	ssyncadd.s32 $0xFFFFFF80  }
0x21: {  	[bflag:$0x0] =	sbarrier.arrive $0xFFFF  }
0x22: {  	[spmem:s2] =	stream.indirect.scatter.add.f32 [tilespmem:s12], [sflag:$0x1], $0x1, s3, s13, $0xb8;
	[tilespmem:$0x2B00] =	vst v63  }
0x23: {  	s21 =	simm.s32 $0x80  }
0x24: {  	[spmem:s2] =	stream.indirect.scatter.add.f32 [tilespmem:s12], [sflag:$0x1], $0x1, s21, s13, $0xb8;
	[tilespmem:$0x2B00] =	vst v63  }
0x25: {  	s21 =	simm.s32 $0x100  }
0x26: {  	[spmem:s2] =	stream.indirect.scatter.add.f32 [tilespmem:s12], [sflag:$0x1], $0x1, s21, s13, $0xb8;
	[tilespmem:$0x2B00] =	vst v63  }
0x27: {  	s21 =	simm.s32 $0x180  }
0x28: {  	[spmem:s2] =	stream.indirect.scatter.add.f32 [tilespmem:s12], [sflag:$0x1], $0x1, s21, s13, $0xb8;
	[tilespmem:$0x2B00] =	vst v63  }
0x29: {  	s21 =	simm.s32 $0x200  }
0x2a: {  	[spmem:s2] =	stream.indirect.scatter.add.f32 [tilespmem:s12], [sflag:$0x1], $0x1, s21, s13, $0xb8;
	[tilespmem:$0x2B00] =	vst v63  }
0x2b: {  	s21 =	simm.s32 $0x280  }
0x2c: {  	[spmem:s2] =	stream.indirect.scatter.add.f32 [tilespmem:s12], [sflag:$0x1], $0x1, s21, s13, $0xb8;
	[tilespmem:$0x2B00] =	vst v63  }
0x2d: {  	s21 =	simm.s32 $0x300  }
0x2e: {  	[spmem:s2] =	stream.indirect.scatter.add.f32 [tilespmem:s12], [sflag:$0x1], $0x1, s21, s13, $0xb8;
	[tilespmem:$0x2B00] =	vst v63  }
0x2f: {  	s21 =	simm.s32 $0x380  }
0x30: {  	[spmem:s2] =	stream.indirect.scatter.add.f32 [tilespmem:s12], [sflag:$0x1], $0x1, s21, s13, $0xb8;
	[tilespmem:$0x2B00] =	vst v63  }
0x31: {  	s21 =	simm.s32 $0x400  }
0x32: {  	[spmem:s2] =	stream.indirect.scatter.add.f32 [tilespmem:s12], [sflag:$0x1], $0x1, s21, s13, $0xb8;
	[tilespmem:$0x2B00] =	vst v63  }
0x33: {  	s21 =	simm.s32 $0x480  }
0x34: {  	[spmem:s2] =	stream.indirect.scatter.add.f32 [tilespmem:s12], [sflag:$0x1], $0x1, s21, s13, $0xb8;
	[tilespmem:$0x2B00] =	vst v63  }
0x35: {  	s21 =	simm.s32 $0x500  }
0x36: {  	[spmem:s2] =	stream.indirect.scatter.add.f32 [tilespmem:s12], [sflag:$0x1], $0x1, s21, s13, $0xb8;
	[tilespmem:$0x2B00] =	vst v63  }
0x37: {  	s21 =	simm.s32 $0x580  }
0x38: {  	[spmem:s2] =	stream.indirect.scatter.add.f32 [tilespmem:s12], [sflag:$0x1], $0x1, s21, s13, $0xb8;
	[tilespmem:$0x2B00] =	vst v63  }
0x39: {  	s21 =	simm.s32 $0x600  }
0x3a: {  	[spmem:s2] =	stream.indirect.scatter.add.f32 [tilespmem:s12], [sflag:$0x1], $0x1, s21, s13, $0xb8;
	[tilespmem:$0x2B00] =	vst v63  }
0x3b: {  	s21 =	simm.s32 $0x680  }
0x3c: {  	[spmem:s2] =	stream.indirect.scatter.add.f32 [tilespmem:s12], [sflag:$0x1], $0x1, s21, s13, $0xb8;
	[tilespmem:$0x2B00] =	vst v63  }
0x3d: {  	s21 =	simm.s32 $0x700  }
0x3e: {  	[spmem:s2] =	stream.indirect.scatter.add.f32 [tilespmem:s12], [sflag:$0x1], $0x1, s21, s13, $0xb8;
	[tilespmem:$0x2B00] =	vst v63  }
0x3f: {  	s21 =	simm.s32 $0x780  }
0x40: {  	[spmem:s2] =	stream.indirect.scatter.add.f32 [tilespmem:s12], [sflag:$0x1], $0x1, s21, s13, $0xb8;
	[tilespmem:$0x2B00] =	vst v63  }
0x41: {  	s21 =	simm.s32 $0x800  }
0x42: {  	[spmem:s2] =	stream.indirect.scatter.add.f32 [tilespmem:s12], [sflag:$0x1], $0x1, s21, s13, $0xb8;
	[tilespmem:$0x2B00] =	vst v63  }
0x43: {  	s21 =	simm.s32 $0x880  }
0x44: {  	[spmem:s2] =	stream.indirect.scatter.add.f32 [tilespmem:s12], [sflag:$0x1], $0x1, s21, s13, $0xb8;
	[tilespmem:$0x2B00] =	vst v63  }
0x45: {  	s21 =	simm.s32 $0x900  }
0x46: {  	[spmem:s2] =	stream.indirect.scatter.add.f32 [tilespmem:s12], [sflag:$0x1], $0x1, s21, s13, $0xb8;
	[tilespmem:$0x2B00] =	vst v63  }
0x47: {  	s21 =	simm.s32 $0x980  }
0x48: {  	[spmem:s2] =	stream.indirect.scatter.add.f32 [tilespmem:s12], [sflag:$0x1], $0x1, s21, s13, $0xb8;
	[tilespmem:$0x2B00] =	vst v63  }
0x49: {  	s21 =	simm.s32 $0xA00  }
0x4a: {  	[spmem:s2] =	stream.indirect.scatter.add.f32 [tilespmem:s12], [sflag:$0x1], $0x1, s21, s13, $0xb8;
	[tilespmem:$0x2B00] =	vst v63  }
0x4b: {  	s21 =	simm.s32 $0xA80  }
0x4c: {  	[spmem:s2] =	stream.indirect.scatter.add.f32 [tilespmem:s12], [sflag:$0x1], $0x1, s21, s13, $0xb8;
	[tilespmem:$0x2B00] =	vst v63  }
0x4d: {  	s21 =	simm.s32 $0xB00  }
0x4e: {  	[spmem:s2] =	stream.indirect.scatter.add.f32 [tilespmem:s12], [sflag:$0x1], $0x1, s21, s13, $0xb8;
	[tilespmem:$0x2B00] =	vst v63  }
0x4f: {  	s21 =	simm.s32 $0xB80  }
0x50: {  	[spmem:s2] =	stream.indirect.scatter.add.f32 [tilespmem:s12], [sflag:$0x1], $0x1, s21, s13, $0xb8;
	[tilespmem:$0x2B00] =	vst v63  }
0x51: {  	s21 =	simm.s32 $0xC00  }
0x52: {  	[spmem:s2] =	stream.indirect.scatter.add.f32 [tilespmem:s12], [sflag:$0x1], $0x1, s21, s13, $0xb8;
	[tilespmem:$0x2B00] =	vst v63  }
0x53: {  	s21 =	simm.s32 $0xC80  }
0x54: {  	[spmem:s2] =	stream.indirect.scatter.add.f32 [tilespmem:s12], [sflag:$0x1], $0x1, s21, s13, $0xb8;
	[tilespmem:$0x2B00] =	vst v63  }
0x55: {  	s21 =	simm.s32 $0xD00  }
0x56: {  	[spmem:s2] =	stream.indirect.scatter.add.f32 [tilespmem:s12], [sflag:$0x1], $0x1, s21, s13, $0xb8;
	[tilespmem:$0x2B00] =	vst v63  }
0x57: {  	s21 =	simm.s32 $0xD80  }
0x58: {  	[spmem:s2] =	stream.indirect.scatter.add.f32 [tilespmem:s12], [sflag:$0x1], $0x1, s21, s13, $0xb8;
	[tilespmem:$0x2B00] =	vst v63  }
0x59: {  	s21 =	simm.s32 $0xE00  }
0x5a: {  	[spmem:s2] =	stream.indirect.scatter.add.f32 [tilespmem:s12], [sflag:$0x1], $0x1, s21, s13, $0xb8;
	[tilespmem:$0x2B00] =	vst v63  }
0x5b: {  	s21 =	simm.s32 $0xE80  }
0x5c: {  	[spmem:s2] =	stream.indirect.scatter.add.f32 [tilespmem:s12], [sflag:$0x1], $0x1, s21, s13, $0xb8;
	[tilespmem:$0x2B00] =	vst v63  }
0x5d: {  	s21 =	simm.s32 $0xF00  }
0x5e: {  	[spmem:s2] =	stream.indirect.scatter.add.f32 [tilespmem:s12], [sflag:$0x1], $0x1, s21, s13, $0xb8;
	[tilespmem:$0x2B00] =	vst v63  }
0x5f: {  	s21 =	simm.s32 $0xF80  }
0x60: {  	[spmem:s2] =	stream.indirect.scatter.add.f32 [tilespmem:s12], [sflag:$0x1], $0x1, s21, s13, $0xb8;
	[tilespmem:$0x2B00] =	vst v63  }
0x61: {  	s21 =	simm.s32 $0x1000  }
0x62: {  	[spmem:s2] =	stream.indirect.scatter.add.f32 [tilespmem:s12], [sflag:$0x1], $0x1, s21, s13, $0xb8;
	[tilespmem:$0x2B00] =	vst v63  }
0x63: {  	s21 =	simm.s32 $0x1080  }
0x64: {  	[spmem:s2] =	stream.indirect.scatter.add.f32 [tilespmem:s12], [sflag:$0x1], $0x1, s21, s13, $0xb8;
	[tilespmem:$0x2B00] =	vst v63  }
0x65: {  	s21 =	simm.s32 $0x1100  }
0x66: {  	[spmem:s2] =	stream.indirect.scatter.add.f32 [tilespmem:s12], [sflag:$0x1], $0x1, s21, s13, $0xb8;
	[tilespmem:$0x2B00] =	vst v63  }
0x67: {  	s21 =	simm.s32 $0x1180  }
0x68: {  	[spmem:s2] =	stream.indirect.scatter.add.f32 [tilespmem:s12], [sflag:$0x1], $0x1, s21, s13, $0xb8;
	[tilespmem:$0x2B00] =	vst v63  }
0x69: {  	s21 =	simm.s32 $0x1200  }
0x6a: {  	[spmem:s2] =	stream.indirect.scatter.add.f32 [tilespmem:s12], [sflag:$0x1], $0x1, s21, s13, $0xb8;
	[tilespmem:$0x2B00] =	vst v63  }
0x6b: {  	s21 =	simm.s32 $0x1280  }
0x6c: {  	[spmem:s2] =	stream.indirect.scatter.add.f32 [tilespmem:s12], [sflag:$0x1], $0x1, s21, s13, $0xb8;
	[tilespmem:$0x2B00] =	vst v63  }
0x6d: {  	s21 =	simm.s32 $0x1300  }
0x6e: {  	[spmem:s2] =	stream.indirect.scatter.add.f32 [tilespmem:s12], [sflag:$0x1], $0x1, s21, s13, $0xb8;
	[tilespmem:$0x2B00] =	vst v63  }
0x6f: {  	s21 =	simm.s32 $0x1380  }
0x70: {  	[spmem:s2] =	stream.indirect.scatter.add.f32 [tilespmem:s12], [sflag:$0x1], $0x1, s21, s13, $0xb8;
	[tilespmem:$0x2B00] =	vst v63  }
0x71: {  	s21 =	simm.s32 $0x1400  }
0x72: {  	[spmem:s2] =	stream.indirect.scatter.add.f32 [tilespmem:s12], [sflag:$0x1], $0x1, s21, s13, $0xb8;
	[tilespmem:$0x2B00] =	vst v63  }
0x73: {  	s21 =	simm.s32 $0x1480  }
0x74: {  	[spmem:s2] =	stream.indirect.scatter.add.f32 [tilespmem:s12], [sflag:$0x1], $0x1, s21, s13, $0xb8;
	[tilespmem:$0x2B00] =	vst v63  }
0x75: {  	s21 =	simm.s32 $0x1500  }
0x76: {  	[spmem:s2] =	stream.indirect.scatter.add.f32 [tilespmem:s12], [sflag:$0x1], $0x1, s21, s13, $0xb8;
	[tilespmem:$0x2B00] =	vst v63  }
0x77: {  	s21 =	simm.s32 $0x1580  }
0x78: {  	[spmem:s2] =	stream.indirect.scatter.add.f32 [tilespmem:s12], [sflag:$0x1], $0x1, s21, s13, $0xb8;
	[tilespmem:$0x2B00] =	vst v63  }
0x79: {  	s21 =	simm.s32 $0x1600  }
0x7a: {  	[spmem:s2] =	stream.indirect.scatter.add.f32 [tilespmem:s12], [sflag:$0x1], $0x1, s21, s13, $0xb8;
	[tilespmem:$0x2B00] =	vst v63  }
0x7b: {  	s21 =	simm.s32 $0x1680  }
0x7c: {  	[spmem:s2] =	stream.indirect.scatter.add.f32 [tilespmem:s12], [sflag:$0x1], $0x1, s21, s13, $0xb8;
	[tilespmem:$0x2B00] =	vst v63  }
0x7d: {  	s21 =	simm.s32 $0x1700  }
0x7e: {  	[spmem:s2] =	stream.indirect.scatter.add.f32 [tilespmem:s12], [sflag:$0x1], $0x1, s21, s13, $0xb8;
	[tilespmem:$0x2B00] =	vst v63  }
0x7f: {  	s21 =	simm.s32 $0x1780  }
0x80: {  	[spmem:s2] =	stream.indirect.scatter.add.f32 [tilespmem:s12], [sflag:$0x1], $0x1, s21, s13, $0xb8;
	[tilespmem:$0x2B00] =	vst v63  }
0x81: {  	s21 =	simm.s32 $0x1800  }
0x82: {  	[spmem:s2] =	stream.indirect.scatter.add.f32 [tilespmem:s12], [sflag:$0x1], $0x1, s21, s13, $0xb8;
	[tilespmem:$0x2B00] =	vst v63  }
0x83: {  	s21 =	simm.s32 $0x1880  }
0x84: {  	[spmem:s2] =	stream.indirect.scatter.add.f32 [tilespmem:s12], [sflag:$0x1], $0x1, s21, s13, $0xb8;
	[tilespmem:$0x2B00] =	vst v63  }
0x85: {  	s21 =	simm.s32 $0x1900  }
0x86: {  	[spmem:s2] =	stream.indirect.scatter.add.f32 [tilespmem:s12], [sflag:$0x1], $0x1, s21, s13, $0xb8;
	[tilespmem:$0x2B00] =	vst v63  }
0x87: {  	s21 =	simm.s32 $0x1980  }
0x88: {  	[spmem:s2] =	stream.indirect.scatter.add.f32 [tilespmem:s12], [sflag:$0x1], $0x1, s21, s13, $0xb8;
	[tilespmem:$0x2B00] =	vst v63  }
0x89: {  	s21 =	simm.s32 $0x1A00  }
0x8a: {  	[spmem:s2] =	stream.indirect.scatter.add.f32 [tilespmem:s12], [sflag:$0x1], $0x1, s21, s13, $0xb8;
	[tilespmem:$0x2B00] =	vst v63  }
0x8b: {  	s21 =	simm.s32 $0x1A80  }
0x8c: {  	[spmem:s2] =	stream.indirect.scatter.add.f32 [tilespmem:s12], [sflag:$0x1], $0x1, s21, s13, $0xb8;
	[tilespmem:$0x2B00] =	vst v63  }
0x8d: {  	s21 =	simm.s32 $0x1B00  }
0x8e: {  	[spmem:s2] =	stream.indirect.scatter.add.f32 [tilespmem:s12], [sflag:$0x1], $0x1, s21, s13, $0xb8;
	[tilespmem:$0x2B00] =	vst v63  }
0x8f: {  	s21 =	simm.s32 $0x1B80  }
0x90: {  	[spmem:s2] =	stream.indirect.scatter.add.f32 [tilespmem:s12], [sflag:$0x1], $0x1, s21, s13, $0xb8;
	[tilespmem:$0x2B00] =	vst v63  }
0x91: {  	s21 =	simm.s32 $0x1C00  }
0x92: {  	[spmem:s2] =	stream.indirect.scatter.add.f32 [tilespmem:s12], [sflag:$0x1], $0x1, s21, s13, $0xb8;
	[tilespmem:$0x2B00] =	vst v63  }
0x93: {  	s21 =	simm.s32 $0x1C80  }
0x94: {  	[spmem:s2] =	stream.indirect.scatter.add.f32 [tilespmem:s12], [sflag:$0x1], $0x1, s21, s13, $0xb8;
	[tilespmem:$0x2B00] =	vst v63  }
0x95: {  	s21 =	simm.s32 $0x1D00  }
0x96: {  	[spmem:s2] =	stream.indirect.scatter.add.f32 [tilespmem:s12], [sflag:$0x1], $0x1, s21, s13, $0xb8;
	[tilespmem:$0x2B00] =	vst v63  }
0x97: {  	s21 =	simm.s32 $0x1D80  }
0x98: {  	[spmem:s2] =	stream.indirect.scatter.add.f32 [tilespmem:s12], [sflag:$0x1], $0x1, s21, s13, $0xb8;
	[tilespmem:$0x2B00] =	vst v63  }
0x99: {  	s21 =	simm.s32 $0x1E00  }
0x9a: {  	[spmem:s2] =	stream.indirect.scatter.add.f32 [tilespmem:s12], [sflag:$0x1], $0x1, s21, s13, $0xb8;
	[tilespmem:$0x2B00] =	vst v63  }
0x9b: {  	s21 =	simm.s32 $0x1E80  }
0x9c: {  	[spmem:s2] =	stream.indirect.scatter.add.f32 [tilespmem:s12], [sflag:$0x1], $0x1, s21, s13, $0xb8;
	[tilespmem:$0x2B00] =	vst v63  }
0x9d: {  	s21 =	simm.s32 $0x1F00  }
0x9e: {  	[spmem:s2] =	stream.indirect.scatter.add.f32 [tilespmem:s12], [sflag:$0x1], $0x1, s21, s13, $0xb8;
	[tilespmem:$0x2B00] =	vst v63  }
0x9f: {  	s21 =	simm.s32 $0x1F80  }
0xa0: {  	[spmem:s2] =	stream.indirect.scatter.add.f32 [tilespmem:s12], [sflag:$0x1], $0x1, s21, s13, $0xb8;
	[tilespmem:$0x2B00] =	vst v63  }
0xa1: {  	s21 =	simm.s32 $0x2000  }
0xa2: {  	[spmem:s2] =	stream.indirect.scatter.add.f32 [tilespmem:s12], [sflag:$0x1], $0x1, s21, s13, $0xb8;
	[tilespmem:$0x2B00] =	vst v63  }
0xa3: {  	s21 =	simm.s32 $0x2080  }
0xa4: {  	[spmem:s2] =	stream.indirect.scatter.add.f32 [tilespmem:s12], [sflag:$0x1], $0x1, s21, s13, $0xb8;
	[tilespmem:$0x2B00] =	vst v63  }
0xa5: {  	_ = 	snop  }
0xa6: {  	[spmem:s2] =	stream.indirect.scatter.add.f32 [tilespmem:s12], [sflag:$0x1], $0x1, s22, s13, $0xb8;
	[tilespmem:$0x2B00] =	vst v63  }
0xa7: {  	_ = 	snop  }
0xa8: {  	[spmem:s2] =	stream.indirect.scatter.add.f32 [tilespmem:s12], [sflag:$0x1], $0x1, s23, s13, $0xb8;
	[tilespmem:$0x2B00] =	vst v63  }
0xa9: {  	_ = 	snop  }
0xaa: {  	[spmem:s2] =	stream.indirect.scatter.add.f32 [tilespmem:s12], [sflag:$0x1], $0x1, s24, s13, $0xb8;
	[tilespmem:$0x2B00] =	vst v63  }
0xab: {  	_ = 	snop  }
0xac: {  	[spmem:s2] =	stream.indirect.scatter.add.f32 [tilespmem:s12], [sflag:$0x1], $0x1, s25, s13, $0xb8;
	[tilespmem:$0x2B00] =	vst v63  }
0xad: {  	_ = 	snop  }
0xae: {  	[spmem:s2] =	stream.indirect.scatter.add.f32 [tilespmem:s12], [sflag:$0x1], $0x1, s26, s13, $0xb8;
	[tilespmem:$0x2B00] =	vst v63  }
0xaf: {  	_ = 	snop  }
0xb0: {  	[spmem:s2] =	stream.indirect.scatter.add.f32 [tilespmem:s12], [sflag:$0x1], $0x1, s28, s13, $0xb8;
	[tilespmem:$0x2B00] =	vst v63  }
0xb1: {  	_ = 	snop  }
0xb2: {  	[spmem:s2] =	stream.indirect.scatter.add.f32 [tilespmem:s12], [sflag:$0x1], $0x1, s29, s13, $0xb8;
	[tilespmem:$0x2B00] =	vst v63  }
0xb3: {  	_ = 	snop  }
0xb4: {  	[spmem:s2] =	stream.indirect.scatter.add.f32 [tilespmem:s12], [sflag:$0x1], $0x1, s30, s13, $0xb8;
	[tilespmem:$0x2B00] =	vst v63  }
0xb5: {  	_ = 	snop  }
0xb6: {  	[spmem:s2] =	stream.indirect.scatter.add.f32 [tilespmem:s12], [sflag:$0x1], $0x1, s31, s13, $0xb8;
	[tilespmem:$0x2B00] =	vst v63  }
0xb7: {  	_ = 	snop  }
0xb8: {  	[spmem:s2] =	stream.indirect.scatter.add.f32 [tilespmem:s12], [sflag:$0x1], $0x1, s0, s13, $0xb8;
	[tilespmem:$0x2B00] =	vst v63  }
0xb9: {  	_ = 	snop  }
0xba: {  	[spmem:s2] =	stream.indirect.scatter.add.f32 [tilespmem:s12], [sflag:$0x1], $0x1, s1, s13, $0xb8;
	[tilespmem:$0x2B00] =	vst v63  }
0xbb: {  	_ = 	snop  }
0xbc: {  	[spmem:s2] =	stream.indirect.scatter.add.f32 [tilespmem:s12], [sflag:$0x1], $0x1, s14, s13, $0xb8;
	[tilespmem:$0x2B00] =	vst v63  }
0xbd: {  	_ = 	snop  }
0xbe: {  	[spmem:s2] =	stream.indirect.scatter.add.f32 [tilespmem:s12], [sflag:$0x1], $0x1, s15, s13, $0xb8;
	[tilespmem:$0x2B00] =	vst v63  }
0xbf: {  	_ = 	snop  }
0xc0: {  	[spmem:s2] =	stream.indirect.scatter.add.f32 [tilespmem:s12], [sflag:$0x1], $0x1, s16, s13, $0xb8;
	[tilespmem:$0x2B00] =	vst v63  }
0xc1: {  	_ =	swait.ge [sflag:s17], $0x7D  }
0xc2: {  	s21 =	simm.s32 $0x27;
	[sflag:s17] =	ssyncset.done $0x0  }
.LBB2_2:
0xc3: {  	p0 =	sne.s32 s21, $0x1;
	s21 =	sadd.s32 $0xFFFFFFFF, s21;
	[sflag:s17] =	ssyncadd.s32 $0xFFFFFF83  }
.Ltmp0:
0xc4: {  	(pc) =	sbr.rel @p0 .LBB2_2-.Ltmp0, $3  }
0xc5: {  	_ =	sdelay $0x1  }
0xc6: {  	_ =	swait.ge [sflag:s17], $0x7D  }
0xc7: {  	[sflag:s17] =	ssyncset.done $0x0  }
0xc8: {  	[sflag:s17] =	ssyncadd.s32 $0xFFFFFF83  }
0xc9: {  	_ =	swait.ge [sflag:s17], $0x7D  }
0xca: {  	s21 =	simm.s32 $0x27;
	[sflag:s17] =	ssyncset.done $0x0  }
.LBB2_4:
0xcb: {  	p0 =	sne.s32 s21, $0x1;
	s21 =	sadd.s32 $0xFFFFFFFF, s21;
	[sflag:s17] =	ssyncadd.s32 $0xFFFFFF83  }
.Ltmp1:
0xcc: {  	(pc) =	sbr.rel @p0 .LBB2_4-.Ltmp1, $3  }
0xcd: {  	_ =	sdelay $0x1  }
0xce: {  	_ =	swait.ge [sflag:s17], $0x7D  }
0xcf: {  	[sflag:s17] =	ssyncset.done $0x0  }
0xd0: {  	s20 =	sadd.s32 $0x1, s20  }
0xd1: {  	[sflag:s17] =	ssyncadd.s32 $0xFFFFFF83;
	p0 =	sne.s32 s20, s9  }
.Ltmp2:
0xd2: {  	[bflag:$0x0] =	sbarrier.arrive $0xFFFF;
	(pc) =	sbr.rel @p0 .LBB2_1-.Ltmp2, $4  }
0xd3: {  	[hbm:s8@s18], [sflag:s6] =	dma.strided [spmem:s10@s19], $0x50, s17, $0x10   }
0xd4: {  	_ =	swait.ge [sflag:s11], $0x50  }
0xd5: {  	[sflag:s11] =	ssyncset.done $0x0  }
0xd6: {  	[sflag:s11] =	ssyncadd.s32 $0xFFFFFFB0  }
0xd7: {  	_ =	sfence.sel $0x180000  }
0xd8: {  	[bflag:$0x0] =	sbarrier.arrive $0xFFFF  }
0xd9: {  	_ =	strace $0x90000047  }
0xda: {  	s0 =	stileid.u32;
	[bflag:$0x2] =	sbarrier.arrive $0xFFFF  }
0xdb: {  	p0 =	sne.s32 s0, $0x0;
	s0 =	rddreg [dreg:$0x3]  }
0xdc: {  	s0 =	sadd.s32 @!p0 $0x100000, s0  }
0xdd: {  	[sflag:s0] =	ssyncadd.tile.s32 @!p0 $0x1;
	_ =	shalt  }
.Lfunc_end2:
_tile_overlayer_lowered:
.L_overlay_start_2:
0xde: {  	(tag) =	ssettag $0x2  }
0xdf: {  	s0 =	rddreg [dreg:$0x0];
	s2 =	stileid.u32  }
0xe0: {  	s1 =	rddreg [dreg:$0x1];
	p0 =	sne.s32 s2, $0x0  }
0xe1: {  	s3 =	rddreg [dreg:$0x2];
	[bflag:$0x3] =	sbarrier.arrive $0xFFFF;
	s2 =	simm.s32 @!p0 $0x1C02  }
0xe2: {  	[timem:s3], [sflag:s2] =	dma.local @!p0 [hbm:s0], s1  }
0xe3: {  	s0 =	simm.s32 @!p0 $0x2  }
0xe4: {  	_ =	swait.ge @!p0 [sflag:s0], s1  }
0xe5: {  	s1 =	ssub.s32 @!p0 $0x0, s1;
	[sflag:s0] =	ssyncset.done @!p0 $0x0  }
0xe6: {  	[sflag:s0] =	ssyncadd.s32 @!p0 s1  }
0xe7: {  	[bflag:$0x3] =	sbarrier.arrive $0xFFFF  }
0xe8: {  	_ =	shalt  }

</sc_bundles>
